<compile_context>
chip_gen: v7x
topology: tpu7x:2x2x1
jax: 0.10.2.dev20260603
libtpu: 0.0.44.dev20260713+nightly
codegen_flags: <defaults>
</compile_context>

<pallas_src>
import functools

import jax
import jax.numpy as jnp
from jax import lax
from jax.experimental import pallas as pl
from jax.experimental.pallas import tpu as pltpu
from jax.experimental.pallas import tpu_sc as plsc

NC = 2
NS = 16
NW = NC * NS
GRP = 4
NBUF = 4
DEPTH = 2


def _build(batch, hist, features):
    mesh = plsc.VectorSubcoreMesh(core_axis_name="c", subcore_axis_name="s")
    e_per_w = batch // NW
    g_per_w = e_per_w // GRP

    @functools.partial(
        pl.kernel,
        mesh=mesh,
        out_type=jax.ShapeDtypeStruct((batch, hist, features), jnp.float32),
        scratch_types=[
            pltpu.VMEM((e_per_w, hist), jnp.int32),
            pltpu.VMEM((NBUF, GRP, hist, features), jnp.float32),
            pltpu.SemaphoreType.DMA,
            pltpu.SemaphoreType.DMA,
        ],
    )
    def emb_kernel(table_hbm, idx_hbm, out_hbm, idx_v, rows_v, gsem, wsem):
        wid = lax.axis_index("s") * NC + lax.axis_index("c")
        base = wid * e_per_w
        rows = tuple(rows_v.at[b] for b in range(NBUF))
        pltpu.sync_copy(idx_hbm.at[wid], idx_v)

        def start_group(g, b):
            for j in range(GRP):
                pltpu.async_copy(
                    table_hbm.at[idx_v.at[g * GRP + j]], rows[b].at[j], gsem
                )

        def wait_group(g, b):
            for j in range(GRP):
                pltpu.make_async_copy(
                    table_hbm.at[idx_v.at[g * GRP + j]], rows[b].at[j], gsem
                ).wait()

        for g in range(DEPTH):
            start_group(g, g)

        def outer(m, carry):
            for b in range(NBUF):
                g = m * NBUF + b
                wait_group(g, b)
                pltpu.async_copy(
                    rows[b], out_hbm.at[pl.ds(base + g * GRP, GRP)], wsem
                )

                @pl.when(g + DEPTH < g_per_w)
                def _():
                    @pl.when(g + DEPTH >= NBUF)
                    def _():
                        pltpu.make_async_copy(
                            rows[(b + DEPTH) % NBUF],
                            out_hbm.at[pl.ds(base + g * GRP, GRP)],
                            wsem,
                        ).wait()

                    start_group(g + DEPTH, (b + DEPTH) % NBUF)
            return carry

        lax.fori_loop(0, g_per_w // NBUF, outer, 0)
        for b in range(NBUF):
            pltpu.make_async_copy(
                rows[b], out_hbm.at[pl.ds(base, GRP)], wsem
            ).wait()

    return emb_kernel


def kernel(embedding, inputs):
    batch, hist = inputs.shape
    features = embedding.shape[1]
    idx = inputs.reshape(NW, batch // NW, hist)
    return _build(batch, hist, features)(embedding, idx)

# --- scband reference (transcript-rebuilt; emitter-appended) ---
"""Pipeline reference for scband-embed-32658931319085 (READ-ONLY COPY).

The authoritative reference and input builder live on the scoring server;
editing this copy changes nothing except your own understanding.
"""

import jax, jax.numpy as jnp
import numpy as np

NUM_EMBEDDINGS = 100000
FEATURES = 128
BATCH = 4096
HIST = 50


def setup_inputs(seed: int = 0) -> dict:
    key = jax.random.key(seed)
    k_idx, k_emb = jax.random.split(key)
    inputs = jax.random.randint(k_idx, (BATCH, HIST), 0, NUM_EMBEDDINGS, dtype=jnp.int32)
    # variance_scaling(1.0, 'fan_in', 'normal', out_axis=0) on shape (num_embeddings, features):
    # with out_axis=0, fan_in = features -> std = sqrt(1/features)
    std = (1.0 / FEATURES) ** 0.5
    embedding = jax.random.normal(k_emb, (NUM_EMBEDDINGS, FEATURES), dtype=jnp.float32) * std
    return {"embedding": embedding, "inputs": inputs}


def reference(embedding, inputs):
    # names = ("vocab", "embed") maps to no 'data' mesh axis, so the module
    # falls through to partial(jnp.take, axis=0): a plain embedding gather.
    return jnp.take(embedding, inputs, axis=0)

if __name__ == "__main__":
    import jax
    _d = setup_inputs()
    print(jax.jit(kernel)(*tuple(_d.values())))

</pallas_src>

<mosaic_0001>
#map = affine_map<(d0, d1) -> (0, 0)>
#map1 = affine_map<(d0, d1) -> (0, 0, 0)>
module attributes {stable_mosaic.version = 14 : i64} {
  func.func @emb_kernel(%arg0: i32, %arg1: i32, %arg2: memref<100000x128xf32, #tpu.memory_space<hbm>>, %arg3: memref<32x128x50xi32, #tpu.memory_space<hbm>>, %arg4: memref<4096x50x128xf32, #tpu.memory_space<hbm>>, %arg5: memref<128x50xi32, #tpu.memory_space<vmem>>, %arg6: memref<4x4x50x128xf32, #tpu.memory_space<vmem>>, %arg7: memref<!tpu.dma_semaphore, #tpu.memory_space<semaphore_mem>>, %arg8: memref<!tpu.dma_semaphore, #tpu.memory_space<semaphore_mem>>) attributes {dimension_semantics = [#tpu.dimension_semantics<core_parallel>, #tpu.dimension_semantics<subcore_parallel>], iteration_bounds = array<i64: 2, 16>, scalar_prefetch = 0 : i64, scratch_operands = 4 : i64, tpu.core_type = #tpu.core_type<sc_vector_subcore>, window_params = [{transform_indices = #map}, {transform_indices = #map1}, {transform_indices = #map1}]} {
    %mul3A = arith.constant 2 : i32
    %mul3A_0 = arith.muli %arg1, %mul3A : i32
    %add3A = arith.addi %mul3A_0, %arg0 : i32
    %mul3A_1 = arith.constant 128 : i32
    %mul3A_2 = arith.muli %add3A, %mul3A_1 : i32
    "tpu.region"() ({
      %run_scoped3A = tpu.sem_alloc : memref<!tpu.dma_semaphore, #tpu.memory_space<semaphore_mem>>
      %dma_start3A_222 = arith.constant 0 : i32
      %dma_start3A_223 = arith.constant 0 : i32
      %dma_start3A_224 = tpu.memref_slice %arg3[%add3A, %dma_start3A_222, %dma_start3A_223] : memref<32x128x50xi32, #tpu.memory_space<hbm>> -> memref<1x128x50xi32, #tpu.memory_space<hbm>>
      %dma_start3A_225 = tpu.memref_squeeze %dma_start3A_224 : memref<1x128x50xi32, #tpu.memory_space<hbm>> -> memref<128x50xi32, #tpu.memory_space<hbm>>
      %dma_start3A_226 = arith.constant 0 : i32
      %dma_start3A_227 = arith.constant 0 : i32
      %dma_start3A_228 = tpu.memref_slice %arg3[%add3A, %dma_start3A_226, %dma_start3A_227] : memref<32x128x50xi32, #tpu.memory_space<hbm>> -> memref<1x128x50xi32, #tpu.memory_space<hbm>>
      %dma_start3A_229 = tpu.memref_squeeze %dma_start3A_228 : memref<1x128x50xi32, #tpu.memory_space<hbm>> -> memref<128x50xi32, #tpu.memory_space<hbm>>
      tpu.enqueue_dma source(%dma_start3A_229 : memref<128x50xi32, #tpu.memory_space<hbm>>) target(%arg5 : memref<128x50xi32, #tpu.memory_space<vmem>>) target_semaphore(%run_scoped3A : memref<!tpu.dma_semaphore, #tpu.memory_space<semaphore_mem>>)
      %dma_wait3A_230 = arith.constant 0 : i32
      %dma_wait3A_231 = arith.constant 0 : i32
      %dma_wait3A_232 = tpu.memref_slice %arg3[%add3A, %dma_wait3A_230, %dma_wait3A_231] : memref<32x128x50xi32, #tpu.memory_space<hbm>> -> memref<1x128x50xi32, #tpu.memory_space<hbm>>
      %dma_wait3A_233 = tpu.memref_squeeze %dma_wait3A_232 : memref<1x128x50xi32, #tpu.memory_space<hbm>> -> memref<128x50xi32, #tpu.memory_space<hbm>>
      %dma_wait3A_234 = arith.constant 0 : i32
      %dma_wait3A_235 = arith.constant 0 : i32
      %dma_wait3A_236 = tpu.memref_slice %arg3[%add3A, %dma_wait3A_234, %dma_wait3A_235] : memref<32x128x50xi32, #tpu.memory_space<hbm>> -> memref<1x128x50xi32, #tpu.memory_space<hbm>>
      %dma_wait3A_237 = tpu.memref_squeeze %dma_wait3A_236 : memref<1x128x50xi32, #tpu.memory_space<hbm>> -> memref<128x50xi32, #tpu.memory_space<hbm>>
      tpu.wait_dma2 semaphore(%run_scoped3A : memref<!tpu.dma_semaphore, #tpu.memory_space<semaphore_mem>>) src(%dma_wait3A_237 : memref<128x50xi32, #tpu.memory_space<hbm>>) dst(%arg5 : memref<128x50xi32, #tpu.memory_space<vmem>>)
      tpu.yield
    }) : () -> ()
    %dma_start3A = arith.constant 0 : i32
    %dma_start3A_3 = arith.constant 0 : i32
    %dma_start3A_4 = arith.constant 0 : i32
    %dma_start3A_5 = arith.constant 0 : i32
    %dma_start3A_6 = arith.constant 0 : i32
    %dma_start3A_7 = arith.constant 0 : i32
    %dma_start3A_8 = tpu.memref_slice %arg6[%dma_start3A_3, %dma_start3A_5, %dma_start3A_6, %dma_start3A_7] : memref<4x4x50x128xf32, #tpu.memory_space<vmem>> -> memref<1x4x50x128xf32, #tpu.memory_space<vmem>>
    %dma_start3A_9 = tpu.memref_squeeze %dma_start3A_8 : memref<1x4x50x128xf32, #tpu.memory_space<vmem>> -> memref<4x50x128xf32, #tpu.memory_space<vmem>>
    %dma_start3A_10 = arith.constant 0 : i32
    %dma_start3A_11 = arith.constant 0 : i32
    %dma_start3A_12 = tpu.memref_slice %dma_start3A_9[%dma_start3A_4, %dma_start3A_10, %dma_start3A_11] : memref<4x50x128xf32, #tpu.memory_space<vmem>> -> memref<1x50x128xf32, #tpu.memory_space<vmem>>
    %dma_start3A_13 = tpu.memref_squeeze %dma_start3A_12 : memref<1x50x128xf32, #tpu.memory_space<vmem>> -> memref<50x128xf32, #tpu.memory_space<vmem>>
    %dma_start3A_14 = arith.constant 0 : i32
    %dma_start3A_15 = tpu.memref_slice %arg5[%dma_start3A, %dma_start3A_14] : memref<128x50xi32, #tpu.memory_space<vmem>> -> memref<1x50xi32, #tpu.memory_space<vmem>>
    %dma_start3A_16 = tpu.memref_squeeze %dma_start3A_15 : memref<1x50xi32, #tpu.memory_space<vmem>> -> memref<50xi32, #tpu.memory_space<vmem>>
    %dma_start3A_17 = arith.constant 0 : i32
    %dma_start3A_18 = arith.constant 0 : i32
    %dma_start3A_19 = tpu.memref_slice %arg2[%dma_start3A_17, %dma_start3A_18] : memref<100000x128xf32, #tpu.memory_space<hbm>> -> memref<100000x128xf32, #tpu.memory_space<hbm>>
    tpu.enqueue_indirect_dma source(%dma_start3A_19 : memref<100000x128xf32, #tpu.memory_space<hbm>>) target(%dma_start3A_13 : memref<50x128xf32, #tpu.memory_space<vmem>>) offsets(%dma_start3A_16 : memref<50xi32, #tpu.memory_space<vmem>>) semaphore(%arg7 : memref<!tpu.dma_semaphore, #tpu.memory_space<semaphore_mem>>)
    %dma_start3A_20 = arith.constant 1 : i32
    %dma_start3A_21 = arith.constant 0 : i32
    %dma_start3A_22 = arith.constant 1 : i32
    %dma_start3A_23 = arith.constant 0 : i32
    %dma_start3A_24 = arith.constant 0 : i32
    %dma_start3A_25 = arith.constant 0 : i32
    %dma_start3A_26 = tpu.memref_slice %arg6[%dma_start3A_21, %dma_start3A_23, %dma_start3A_24, %dma_start3A_25] : memref<4x4x50x128xf32, #tpu.memory_space<vmem>> -> memref<1x4x50x128xf32, #tpu.memory_space<vmem>>
    %dma_start3A_27 = tpu.memref_squeeze %dma_start3A_26 : memref<1x4x50x128xf32, #tpu.memory_space<vmem>> -> memref<4x50x128xf32, #tpu.memory_space<vmem>>
    %dma_start3A_28 = arith.constant 0 : i32
    %dma_start3A_29 = arith.constant 0 : i32
    %dma_start3A_30 = tpu.memref_slice %dma_start3A_27[%dma_start3A_22, %dma_start3A_28, %dma_start3A_29] : memref<4x50x128xf32, #tpu.memory_space<vmem>> -> memref<1x50x128xf32, #tpu.memory_space<vmem>>
    %dma_start3A_31 = tpu.memref_squeeze %dma_start3A_30 : memref<1x50x128xf32, #tpu.memory_space<vmem>> -> memref<50x128xf32, #tpu.memory_space<vmem>>
    %dma_start3A_32 = arith.constant 0 : i32
    %dma_start3A_33 = tpu.memref_slice %arg5[%dma_start3A_20, %dma_start3A_32] : memref<128x50xi32, #tpu.memory_space<vmem>> -> memref<1x50xi32, #tpu.memory_space<vmem>>
    %dma_start3A_34 = tpu.memref_squeeze %dma_start3A_33 : memref<1x50xi32, #tpu.memory_space<vmem>> -> memref<50xi32, #tpu.memory_space<vmem>>
    %dma_start3A_35 = arith.constant 0 : i32
    %dma_start3A_36 = arith.constant 0 : i32
    %dma_start3A_37 = tpu.memref_slice %arg2[%dma_start3A_35, %dma_start3A_36] : memref<100000x128xf32, #tpu.memory_space<hbm>> -> memref<100000x128xf32, #tpu.memory_space<hbm>>
    tpu.enqueue_indirect_dma source(%dma_start3A_37 : memref<100000x128xf32, #tpu.memory_space<hbm>>) target(%dma_start3A_31 : memref<50x128xf32, #tpu.memory_space<vmem>>) offsets(%dma_start3A_34 : memref<50xi32, #tpu.memory_space<vmem>>) semaphore(%arg7 : memref<!tpu.dma_semaphore, #tpu.memory_space<semaphore_mem>>)
    %dma_start3A_38 = arith.constant 2 : i32
    %dma_start3A_39 = arith.constant 0 : i32
    %dma_start3A_40 = arith.constant 2 : i32
    %dma_start3A_41 = arith.constant 0 : i32
    %dma_start3A_42 = arith.constant 0 : i32
    %dma_start3A_43 = arith.constant 0 : i32
    %dma_start3A_44 = tpu.memref_slice %arg6[%dma_start3A_39, %dma_start3A_41, %dma_start3A_42, %dma_start3A_43] : memref<4x4x50x128xf32, #tpu.memory_space<vmem>> -> memref<1x4x50x128xf32, #tpu.memory_space<vmem>>
    %dma_start3A_45 = tpu.memref_squeeze %dma_start3A_44 : memref<1x4x50x128xf32, #tpu.memory_space<vmem>> -> memref<4x50x128xf32, #tpu.memory_space<vmem>>
    %dma_start3A_46 = arith.constant 0 : i32
    %dma_start3A_47 = arith.constant 0 : i32
    %dma_start3A_48 = tpu.memref_slice %dma_start3A_45[%dma_start3A_40, %dma_start3A_46, %dma_start3A_47] : memref<4x50x128xf32, #tpu.memory_space<vmem>> -> memref<1x50x128xf32, #tpu.memory_space<vmem>>
    %dma_start3A_49 = tpu.memref_squeeze %dma_start3A_48 : memref<1x50x128xf32, #tpu.memory_space<vmem>> -> memref<50x128xf32, #tpu.memory_space<vmem>>
    %dma_start3A_50 = arith.constant 0 : i32
    %dma_start3A_51 = tpu.memref_slice %arg5[%dma_start3A_38, %dma_start3A_50] : memref<128x50xi32, #tpu.memory_space<vmem>> -> memref<1x50xi32, #tpu.memory_space<vmem>>
    %dma_start3A_52 = tpu.memref_squeeze %dma_start3A_51 : memref<1x50xi32, #tpu.memory_space<vmem>> -> memref<50xi32, #tpu.memory_space<vmem>>
    %dma_start3A_53 = arith.constant 0 : i32
    %dma_start3A_54 = arith.constant 0 : i32
    %dma_start3A_55 = tpu.memref_slice %arg2[%dma_start3A_53, %dma_start3A_54] : memref<100000x128xf32, #tpu.memory_space<hbm>> -> memref<100000x128xf32, #tpu.memory_space<hbm>>
    tpu.enqueue_indirect_dma source(%dma_start3A_55 : memref<100000x128xf32, #tpu.memory_space<hbm>>) target(%dma_start3A_49 : memref<50x128xf32, #tpu.memory_space<vmem>>) offsets(%dma_start3A_52 : memref<50xi32, #tpu.memory_space<vmem>>) semaphore(%arg7 : memref<!tpu.dma_semaphore, #tpu.memory_space<semaphore_mem>>)
    %dma_start3A_56 = arith.constant 3 : i32
    %dma_start3A_57 = arith.constant 0 : i32
    %dma_start3A_58 = arith.constant 3 : i32
    %dma_start3A_59 = arith.constant 0 : i32
    %dma_start3A_60 = arith.constant 0 : i32
    %dma_start3A_61 = arith.constant 0 : i32
    %dma_start3A_62 = tpu.memref_slice %arg6[%dma_start3A_57, %dma_start3A_59, %dma_start3A_60, %dma_start3A_61] : memref<4x4x50x128xf32, #tpu.memory_space<vmem>> -> memref<1x4x50x128xf32, #tpu.memory_space<vmem>>
    %dma_start3A_63 = tpu.memref_squeeze %dma_start3A_62 : memref<1x4x50x128xf32, #tpu.memory_space<vmem>> -> memref<4x50x128xf32, #tpu.memory_space<vmem>>
    %dma_start3A_64 = arith.constant 0 : i32
    %dma_start3A_65 = arith.constant 0 : i32
    %dma_start3A_66 = tpu.memref_slice %dma_start3A_63[%dma_start3A_58, %dma_start3A_64, %dma_start3A_65] : memref<4x50x128xf32, #tpu.memory_space<vmem>> -> memref<1x50x128xf32, #tpu.memory_space<vmem>>
    %dma_start3A_67 = tpu.memref_squeeze %dma_start3A_66 : memref<1x50x128xf32, #tpu.memory_space<vmem>> -> memref<50x128xf32, #tpu.memory_space<vmem>>
    %dma_start3A_68 = arith.constant 0 : i32
    %dma_start3A_69 = tpu.memref_slice %arg5[%dma_start3A_56, %dma_start3A_68] : memref<128x50xi32, #tpu.memory_space<vmem>> -> memref<1x50xi32, #tpu.memory_space<vmem>>
    %dma_start3A_70 = tpu.memref_squeeze %dma_start3A_69 : memref<1x50xi32, #tpu.memory_space<vmem>> -> memref<50xi32, #tpu.memory_space<vmem>>
    %dma_start3A_71 = arith.constant 0 : i32
    %dma_start3A_72 = arith.constant 0 : i32
    %dma_start3A_73 = tpu.memref_slice %arg2[%dma_start3A_71, %dma_start3A_72] : memref<100000x128xf32, #tpu.memory_space<hbm>> -> memref<100000x128xf32, #tpu.memory_space<hbm>>
    tpu.enqueue_indirect_dma source(%dma_start3A_73 : memref<100000x128xf32, #tpu.memory_space<hbm>>) target(%dma_start3A_67 : memref<50x128xf32, #tpu.memory_space<vmem>>) offsets(%dma_start3A_70 : memref<50xi32, #tpu.memory_space<vmem>>) semaphore(%arg7 : memref<!tpu.dma_semaphore, #tpu.memory_space<semaphore_mem>>)
    %dma_start3A_74 = arith.constant 4 : i32
    %dma_start3A_75 = arith.constant 1 : i32
    %dma_start3A_76 = arith.constant 0 : i32
    %dma_start3A_77 = arith.constant 0 : i32
    %dma_start3A_78 = arith.constant 0 : i32
    %dma_start3A_79 = arith.constant 0 : i32
    %dma_start3A_80 = tpu.memref_slice %arg6[%dma_start3A_75, %dma_start3A_77, %dma_start3A_78, %dma_start3A_79] : memref<4x4x50x128xf32, #tpu.memory_space<vmem>> -> memref<1x4x50x128xf32, #tpu.memory_space<vmem>>
    %dma_start3A_81 = tpu.memref_squeeze %dma_start3A_80 : memref<1x4x50x128xf32, #tpu.memory_space<vmem>> -> memref<4x50x128xf32, #tpu.memory_space<vmem>>
    %dma_start3A_82 = arith.constant 0 : i32
    %dma_start3A_83 = arith.constant 0 : i32
    %dma_start3A_84 = tpu.memref_slice %dma_start3A_81[%dma_start3A_76, %dma_start3A_82, %dma_start3A_83] : memref<4x50x128xf32, #tpu.memory_space<vmem>> -> memref<1x50x128xf32, #tpu.memory_space<vmem>>
    %dma_start3A_85 = tpu.memref_squeeze %dma_start3A_84 : memref<1x50x128xf32, #tpu.memory_space<vmem>> -> memref<50x128xf32, #tpu.memory_space<vmem>>
    %dma_start3A_86 = arith.constant 0 : i32
    %dma_start3A_87 = tpu.memref_slice %arg5[%dma_start3A_74, %dma_start3A_86] : memref<128x50xi32, #tpu.memory_space<vmem>> -> memref<1x50xi32, #tpu.memory_space<vmem>>
    %dma_start3A_88 = tpu.memref_squeeze %dma_start3A_87 : memref<1x50xi32, #tpu.memory_space<vmem>> -> memref<50xi32, #tpu.memory_space<vmem>>
    %dma_start3A_89 = arith.constant 0 : i32
    %dma_start3A_90 = arith.constant 0 : i32
    %dma_start3A_91 = tpu.memref_slice %arg2[%dma_start3A_89, %dma_start3A_90] : memref<100000x128xf32, #tpu.memory_space<hbm>> -> memref<100000x128xf32, #tpu.memory_space<hbm>>
    tpu.enqueue_indirect_dma source(%dma_start3A_91 : memref<100000x128xf32, #tpu.memory_space<hbm>>) target(%dma_start3A_85 : memref<50x128xf32, #tpu.memory_space<vmem>>) offsets(%dma_start3A_88 : memref<50xi32, #tpu.memory_space<vmem>>) semaphore(%arg7 : memref<!tpu.dma_semaphore, #tpu.memory_space<semaphore_mem>>)
    %dma_start3A_92 = arith.constant 5 : i32
    %dma_start3A_93 = arith.constant 1 : i32
    %dma_start3A_94 = arith.constant 1 : i32
    %dma_start3A_95 = arith.constant 0 : i32
    %dma_start3A_96 = arith.constant 0 : i32
    %dma_start3A_97 = arith.constant 0 : i32
    %dma_start3A_98 = tpu.memref_slice %arg6[%dma_start3A_93, %dma_start3A_95, %dma_start3A_96, %dma_start3A_97] : memref<4x4x50x128xf32, #tpu.memory_space<vmem>> -> memref<1x4x50x128xf32, #tpu.memory_space<vmem>>
    %dma_start3A_99 = tpu.memref_squeeze %dma_start3A_98 : memref<1x4x50x128xf32, #tpu.memory_space<vmem>> -> memref<4x50x128xf32, #tpu.memory_space<vmem>>
    %dma_start3A_100 = arith.constant 0 : i32
    %dma_start3A_101 = arith.constant 0 : i32
    %dma_start3A_102 = tpu.memref_slice %dma_start3A_99[%dma_start3A_94, %dma_start3A_100, %dma_start3A_101] : memref<4x50x128xf32, #tpu.memory_space<vmem>> -> memref<1x50x128xf32, #tpu.memory_space<vmem>>
    %dma_start3A_103 = tpu.memref_squeeze %dma_start3A_102 : memref<1x50x128xf32, #tpu.memory_space<vmem>> -> memref<50x128xf32, #tpu.memory_space<vmem>>
    %dma_start3A_104 = arith.constant 0 : i32
    %dma_start3A_105 = tpu.memref_slice %arg5[%dma_start3A_92, %dma_start3A_104] : memref<128x50xi32, #tpu.memory_space<vmem>> -> memref<1x50xi32, #tpu.memory_space<vmem>>
    %dma_start3A_106 = tpu.memref_squeeze %dma_start3A_105 : memref<1x50xi32, #tpu.memory_space<vmem>> -> memref<50xi32, #tpu.memory_space<vmem>>
    %dma_start3A_107 = arith.constant 0 : i32
    %dma_start3A_108 = arith.constant 0 : i32
    %dma_start3A_109 = tpu.memref_slice %arg2[%dma_start3A_107, %dma_start3A_108] : memref<100000x128xf32, #tpu.memory_space<hbm>> -> memref<100000x128xf32, #tpu.memory_space<hbm>>
    tpu.enqueue_indirect_dma source(%dma_start3A_109 : memref<100000x128xf32, #tpu.memory_space<hbm>>) target(%dma_start3A_103 : memref<50x128xf32, #tpu.memory_space<vmem>>) offsets(%dma_start3A_106 : memref<50xi32, #tpu.memory_space<vmem>>) semaphore(%arg7 : memref<!tpu.dma_semaphore, #tpu.memory_space<semaphore_mem>>)
    %dma_start3A_110 = arith.constant 6 : i32
    %dma_start3A_111 = arith.constant 1 : i32
    %dma_start3A_112 = arith.constant 2 : i32
    %dma_start3A_113 = arith.constant 0 : i32
    %dma_start3A_114 = arith.constant 0 : i32
    %dma_start3A_115 = arith.constant 0 : i32
    %dma_start3A_116 = tpu.memref_slice %arg6[%dma_start3A_111, %dma_start3A_113, %dma_start3A_114, %dma_start3A_115] : memref<4x4x50x128xf32, #tpu.memory_space<vmem>> -> memref<1x4x50x128xf32, #tpu.memory_space<vmem>>
    %dma_start3A_117 = tpu.memref_squeeze %dma_start3A_116 : memref<1x4x50x128xf32, #tpu.memory_space<vmem>> -> memref<4x50x128xf32, #tpu.memory_space<vmem>>
    %dma_start3A_118 = arith.constant 0 : i32
    %dma_start3A_119 = arith.constant 0 : i32
    %dma_start3A_120 = tpu.memref_slice %dma_start3A_117[%dma_start3A_112, %dma_start3A_118, %dma_start3A_119] : memref<4x50x128xf32, #tpu.memory_space<vmem>> -> memref<1x50x128xf32, #tpu.memory_space<vmem>>
    %dma_start3A_121 = tpu.memref_squeeze %dma_start3A_120 : memref<1x50x128xf32, #tpu.memory_space<vmem>> -> memref<50x128xf32, #tpu.memory_space<vmem>>
    %dma_start3A_122 = arith.constant 0 : i32
    %dma_start3A_123 = tpu.memref_slice %arg5[%dma_start3A_110, %dma_start3A_122] : memref<128x50xi32, #tpu.memory_space<vmem>> -> memref<1x50xi32, #tpu.memory_space<vmem>>
    %dma_start3A_124 = tpu.memref_squeeze %dma_start3A_123 : memref<1x50xi32, #tpu.memory_space<vmem>> -> memref<50xi32, #tpu.memory_space<vmem>>
    %dma_start3A_125 = arith.constant 0 : i32
    %dma_start3A_126 = arith.constant 0 : i32
    %dma_start3A_127 = tpu.memref_slice %arg2[%dma_start3A_125, %dma_start3A_126] : memref<100000x128xf32, #tpu.memory_space<hbm>> -> memref<100000x128xf32, #tpu.memory_space<hbm>>
    tpu.enqueue_indirect_dma source(%dma_start3A_127 : memref<100000x128xf32, #tpu.memory_space<hbm>>) target(%dma_start3A_121 : memref<50x128xf32, #tpu.memory_space<vmem>>) offsets(%dma_start3A_124 : memref<50xi32, #tpu.memory_space<vmem>>) semaphore(%arg7 : memref<!tpu.dma_semaphore, #tpu.memory_space<semaphore_mem>>)
    %dma_start3A_128 = arith.constant 7 : i32
    %dma_start3A_129 = arith.constant 1 : i32
    %dma_start3A_130 = arith.constant 3 : i32
    %dma_start3A_131 = arith.constant 0 : i32
    %dma_start3A_132 = arith.constant 0 : i32
    %dma_start3A_133 = arith.constant 0 : i32
    %dma_start3A_134 = tpu.memref_slice %arg6[%dma_start3A_129, %dma_start3A_131, %dma_start3A_132, %dma_start3A_133] : memref<4x4x50x128xf32, #tpu.memory_space<vmem>> -> memref<1x4x50x128xf32, #tpu.memory_space<vmem>>
    %dma_start3A_135 = tpu.memref_squeeze %dma_start3A_134 : memref<1x4x50x128xf32, #tpu.memory_space<vmem>> -> memref<4x50x128xf32, #tpu.memory_space<vmem>>
    %dma_start3A_136 = arith.constant 0 : i32
    %dma_start3A_137 = arith.constant 0 : i32
    %dma_start3A_138 = tpu.memref_slice %dma_start3A_135[%dma_start3A_130, %dma_start3A_136, %dma_start3A_137] : memref<4x50x128xf32, #tpu.memory_space<vmem>> -> memref<1x50x128xf32, #tpu.memory_space<vmem>>
    %dma_start3A_139 = tpu.memref_squeeze %dma_start3A_138 : memref<1x50x128xf32, #tpu.memory_space<vmem>> -> memref<50x128xf32, #tpu.memory_space<vmem>>
    %dma_start3A_140 = arith.constant 0 : i32
    %dma_start3A_141 = tpu.memref_slice %arg5[%dma_start3A_128, %dma_start3A_140] : memref<128x50xi32, #tpu.memory_space<vmem>> -> memref<1x50xi32, #tpu.memory_space<vmem>>
    %dma_start3A_142 = tpu.memref_squeeze %dma_start3A_141 : memref<1x50xi32, #tpu.memory_space<vmem>> -> memref<50xi32, #tpu.memory_space<vmem>>
    %dma_start3A_143 = arith.constant 0 : i32
    %dma_start3A_144 = arith.constant 0 : i32
    %dma_start3A_145 = tpu.memref_slice %arg2[%dma_start3A_143, %dma_start3A_144] : memref<100000x128xf32, #tpu.memory_space<hbm>> -> memref<100000x128xf32, #tpu.memory_space<hbm>>
    tpu.enqueue_indirect_dma source(%dma_start3A_145 : memref<100000x128xf32, #tpu.memory_space<hbm>>) target(%dma_start3A_139 : memref<50x128xf32, #tpu.memory_space<vmem>>) offsets(%dma_start3A_142 : memref<50xi32, #tpu.memory_space<vmem>>) semaphore(%arg7 : memref<!tpu.dma_semaphore, #tpu.memory_space<semaphore_mem>>)
    %scan3A = arith.constant 0 : i32
    %scan3A_146 = arith.constant 0 : i32
    %scan3A_147 = arith.constant 2 : i32
    %scan3A_148 = arith.constant 1 : i32
    %scan3A_149 = arith.constant 3 : i32
    %scan3A_150 = arith.constant 0 : i32
    %scan3A_151 = arith.constant 8 : i32
    %scan3A_152 = arith.addi %scan3A_150, %scan3A_151 : i32
    %scan3A_153 = arith.constant 1 : i32
    scf.for %scan3A_222 = %scan3A_150 to %scan3A_152 step %scan3A_153  : i32 {
      %mul3A_223 = arith.constant 4 : i32
      %mul3A_224 = arith.muli %scan3A_222, %mul3A_223 : i32
      %add3A_225 = arith.constant 0 : i32
      %add3A_226 = arith.addi %mul3A_224, %add3A_225 : i32
      %mul3A_227 = arith.constant 4 : i32
      %mul3A_228 = arith.muli %add3A_226, %mul3A_227 : i32
      %add3A_229 = arith.constant 0 : i32
      %add3A_230 = arith.addi %mul3A_228, %add3A_229 : i32
      %dma_wait3A_231 = arith.constant 0 : i32
      %dma_wait3A_232 = arith.constant 0 : i32
      %dma_wait3A_233 = arith.constant 0 : i32
      %dma_wait3A_234 = arith.constant 0 : i32
      %dma_wait3A_235 = tpu.memref_slice %arg6[%scan3A_146, %dma_wait3A_232, %dma_wait3A_233, %dma_wait3A_234] : memref<4x4x50x128xf32, #tpu.memory_space<vmem>> -> memref<1x4x50x128xf32, #tpu.memory_space<vmem>>
      %dma_wait3A_236 = tpu.memref_squeeze %dma_wait3A_235 : memref<1x4x50x128xf32, #tpu.memory_space<vmem>> -> memref<4x50x128xf32, #tpu.memory_space<vmem>>
      %dma_wait3A_237 = arith.constant 0 : i32
      %dma_wait3A_238 = arith.constant 0 : i32
      %dma_wait3A_239 = tpu.memref_slice %dma_wait3A_236[%dma_wait3A_231, %dma_wait3A_237, %dma_wait3A_238] : memref<4x50x128xf32, #tpu.memory_space<vmem>> -> memref<1x50x128xf32, #tpu.memory_space<vmem>>
      %dma_wait3A_240 = tpu.memref_squeeze %dma_wait3A_239 : memref<1x50x128xf32, #tpu.memory_space<vmem>> -> memref<50x128xf32, #tpu.memory_space<vmem>>
      %dma_wait3A_241 = arith.constant 0 : i32
      %dma_wait3A_242 = tpu.memref_slice %arg5[%add3A_230, %dma_wait3A_241] : memref<128x50xi32, #tpu.memory_space<vmem>> -> memref<1x50xi32, #tpu.memory_space<vmem>>
      %dma_wait3A_243 = tpu.memref_squeeze %dma_wait3A_242 : memref<1x50xi32, #tpu.memory_space<vmem>> -> memref<50xi32, #tpu.memory_space<vmem>>
      %dma_wait3A_244 = arith.constant 0 : i32
      %dma_wait3A_245 = arith.constant 0 : i32
      %dma_wait3A_246 = tpu.memref_slice %arg2[%dma_wait3A_244, %dma_wait3A_245] : memref<100000x128xf32, #tpu.memory_space<hbm>> -> memref<100000x128xf32, #tpu.memory_space<hbm>>
      tpu.wait_indirect_dma semaphore(%arg7 : memref<!tpu.dma_semaphore, #tpu.memory_space<semaphore_mem>>) src(%dma_wait3A_246 : memref<100000x128xf32, #tpu.memory_space<hbm>>) dst(%dma_wait3A_240 : memref<50x128xf32, #tpu.memory_space<vmem>>)
      %mul3A_247 = arith.constant 4 : i32
      %mul3A_248 = arith.muli %add3A_226, %mul3A_247 : i32
      %add3A_249 = arith.constant 1 : i32
      %add3A_250 = arith.addi %mul3A_248, %add3A_249 : i32
      %dma_wait3A_251 = arith.constant 1 : i32
      %dma_wait3A_252 = arith.constant 0 : i32
      %dma_wait3A_253 = arith.constant 0 : i32
      %dma_wait3A_254 = arith.constant 0 : i32
      %dma_wait3A_255 = tpu.memref_slice %arg6[%scan3A_146, %dma_wait3A_252, %dma_wait3A_253, %dma_wait3A_254] : memref<4x4x50x128xf32, #tpu.memory_space<vmem>> -> memref<1x4x50x128xf32, #tpu.memory_space<vmem>>
      %dma_wait3A_256 = tpu.memref_squeeze %dma_wait3A_255 : memref<1x4x50x128xf32, #tpu.memory_space<vmem>> -> memref<4x50x128xf32, #tpu.memory_space<vmem>>
      %dma_wait3A_257 = arith.constant 0 : i32
      %dma_wait3A_258 = arith.constant 0 : i32
      %dma_wait3A_259 = tpu.memref_slice %dma_wait3A_256[%dma_wait3A_251, %dma_wait3A_257, %dma_wait3A_258] : memref<4x50x128xf32, #tpu.memory_space<vmem>> -> memref<1x50x128xf32, #tpu.memory_space<vmem>>
      %dma_wait3A_260 = tpu.memref_squeeze %dma_wait3A_259 : memref<1x50x128xf32, #tpu.memory_space<vmem>> -> memref<50x128xf32, #tpu.memory_space<vmem>>
      %dma_wait3A_261 = arith.constant 0 : i32
      %dma_wait3A_262 = tpu.memref_slice %arg5[%add3A_250, %dma_wait3A_261] : memref<128x50xi32, #tpu.memory_space<vmem>> -> memref<1x50xi32, #tpu.memory_space<vmem>>
      %dma_wait3A_263 = tpu.memref_squeeze %dma_wait3A_262 : memref<1x50xi32, #tpu.memory_space<vmem>> -> memref<50xi32, #tpu.memory_space<vmem>>
      %dma_wait3A_264 = arith.constant 0 : i32
      %dma_wait3A_265 = arith.constant 0 : i32
      %dma_wait3A_266 = tpu.memref_slice %arg2[%dma_wait3A_264, %dma_wait3A_265] : memref<100000x128xf32, #tpu.memory_space<hbm>> -> memref<100000x128xf32, #tpu.memory_space<hbm>>
      tpu.wait_indirect_dma semaphore(%arg7 : memref<!tpu.dma_semaphore, #tpu.memory_space<semaphore_mem>>) src(%dma_wait3A_266 : memref<100000x128xf32, #tpu.memory_space<hbm>>) dst(%dma_wait3A_260 : memref<50x128xf32, #tpu.memory_space<vmem>>)
      %mul3A_267 = arith.constant 4 : i32
      %mul3A_268 = arith.muli %add3A_226, %mul3A_267 : i32
      %add3A_269 = arith.constant 2 : i32
      %add3A_270 = arith.addi %mul3A_268, %add3A_269 : i32
      %dma_wait3A_271 = arith.constant 2 : i32
      %dma_wait3A_272 = arith.constant 0 : i32
      %dma_wait3A_273 = arith.constant 0 : i32
      %dma_wait3A_274 = arith.constant 0 : i32
      %dma_wait3A_275 = tpu.memref_slice %arg6[%scan3A_146, %dma_wait3A_272, %dma_wait3A_273, %dma_wait3A_274] : memref<4x4x50x128xf32, #tpu.memory_space<vmem>> -> memref<1x4x50x128xf32, #tpu.memory_space<vmem>>
      %dma_wait3A_276 = tpu.memref_squeeze %dma_wait3A_275 : memref<1x4x50x128xf32, #tpu.memory_space<vmem>> -> memref<4x50x128xf32, #tpu.memory_space<vmem>>
      %dma_wait3A_277 = arith.constant 0 : i32
      %dma_wait3A_278 = arith.constant 0 : i32
      %dma_wait3A_279 = tpu.memref_slice %dma_wait3A_276[%dma_wait3A_271, %dma_wait3A_277, %dma_wait3A_278] : memref<4x50x128xf32, #tpu.memory_space<vmem>> -> memref<1x50x128xf32, #tpu.memory_space<vmem>>
      %dma_wait3A_280 = tpu.memref_squeeze %dma_wait3A_279 : memref<1x50x128xf32, #tpu.memory_space<vmem>> -> memref<50x128xf32, #tpu.memory_space<vmem>>
      %dma_wait3A_281 = arith.constant 0 : i32
      %dma_wait3A_282 = tpu.memref_slice %arg5[%add3A_270, %dma_wait3A_281] : memref<128x50xi32, #tpu.memory_space<vmem>> -> memref<1x50xi32, #tpu.memory_space<vmem>>
      %dma_wait3A_283 = tpu.memref_squeeze %dma_wait3A_282 : memref<1x50xi32, #tpu.memory_space<vmem>> -> memref<50xi32, #tpu.memory_space<vmem>>
      %dma_wait3A_284 = arith.constant 0 : i32
      %dma_wait3A_285 = arith.constant 0 : i32
      %dma_wait3A_286 = tpu.memref_slice %arg2[%dma_wait3A_284, %dma_wait3A_285] : memref<100000x128xf32, #tpu.memory_space<hbm>> -> memref<100000x128xf32, #tpu.memory_space<hbm>>
      tpu.wait_indirect_dma semaphore(%arg7 : memref<!tpu.dma_semaphore, #tpu.memory_space<semaphore_mem>>) src(%dma_wait3A_286 : memref<100000x128xf32, #tpu.memory_space<hbm>>) dst(%dma_wait3A_280 : memref<50x128xf32, #tpu.memory_space<vmem>>)
      %mul3A_287 = arith.constant 4 : i32
      %mul3A_288 = arith.muli %add3A_226, %mul3A_287 : i32
      %add3A_289 = arith.constant 3 : i32
      %add3A_290 = arith.addi %mul3A_288, %add3A_289 : i32
      %dma_wait3A_291 = arith.constant 3 : i32
      %dma_wait3A_292 = arith.constant 0 : i32
      %dma_wait3A_293 = arith.constant 0 : i32
      %dma_wait3A_294 = arith.constant 0 : i32
      %dma_wait3A_295 = tpu.memref_slice %arg6[%scan3A_146, %dma_wait3A_292, %dma_wait3A_293, %dma_wait3A_294] : memref<4x4x50x128xf32, #tpu.memory_space<vmem>> -> memref<1x4x50x128xf32, #tpu.memory_space<vmem>>
      %dma_wait3A_296 = tpu.memref_squeeze %dma_wait3A_295 : memref<1x4x50x128xf32, #tpu.memory_space<vmem>> -> memref<4x50x128xf32, #tpu.memory_space<vmem>>
      %dma_wait3A_297 = arith.constant 0 : i32
      %dma_wait3A_298 = arith.constant 0 : i32
      %dma_wait3A_299 = tpu.memref_slice %dma_wait3A_296[%dma_wait3A_291, %dma_wait3A_297, %dma_wait3A_298] : memref<4x50x128xf32, #tpu.memory_space<vmem>> -> memref<1x50x128xf32, #tpu.memory_space<vmem>>
      %dma_wait3A_300 = tpu.memref_squeeze %dma_wait3A_299 : memref<1x50x128xf32, #tpu.memory_space<vmem>> -> memref<50x128xf32, #tpu.memory_space<vmem>>
      %dma_wait3A_301 = arith.constant 0 : i32
      %dma_wait3A_302 = tpu.memref_slice %arg5[%add3A_290, %dma_wait3A_301] : memref<128x50xi32, #tpu.memory_space<vmem>> -> memref<1x50xi32, #tpu.memory_space<vmem>>
      %dma_wait3A_303 = tpu.memref_squeeze %dma_wait3A_302 : memref<1x50xi32, #tpu.memory_space<vmem>> -> memref<50xi32, #tpu.memory_space<vmem>>
      %dma_wait3A_304 = arith.constant 0 : i32
      %dma_wait3A_305 = arith.constant 0 : i32
      %dma_wait3A_306 = tpu.memref_slice %arg2[%dma_wait3A_304, %dma_wait3A_305] : memref<100000x128xf32, #tpu.memory_space<hbm>> -> memref<100000x128xf32, #tpu.memory_space<hbm>>
      tpu.wait_indirect_dma semaphore(%arg7 : memref<!tpu.dma_semaphore, #tpu.memory_space<semaphore_mem>>) src(%dma_wait3A_306 : memref<100000x128xf32, #tpu.memory_space<hbm>>) dst(%dma_wait3A_300 : memref<50x128xf32, #tpu.memory_space<vmem>>)
      %mul3A_307 = arith.constant 4 : i32
      %mul3A_308 = arith.muli %add3A_226, %mul3A_307 : i32
      %add3A_309 = arith.addi %mul3A_2, %mul3A_308 : i32
      %dma_start3A_310 = arith.constant 0 : i32
      %dma_start3A_311 = arith.constant 0 : i32
      %dma_start3A_312 = arith.constant 0 : i32
      %dma_start3A_313 = tpu.memref_slice %arg6[%scan3A_146, %dma_start3A_310, %dma_start3A_311, %dma_start3A_312] : memref<4x4x50x128xf32, #tpu.memory_space<vmem>> -> memref<1x4x50x128xf32, #tpu.memory_space<vmem>>
      %dma_start3A_314 = tpu.memref_squeeze %dma_start3A_313 : memref<1x4x50x128xf32, #tpu.memory_space<vmem>> -> memref<4x50x128xf32, #tpu.memory_space<vmem>>
      %dma_start3A_315 = arith.constant 0 : i32
      %dma_start3A_316 = arith.constant 0 : i32
      %dma_start3A_317 = tpu.memref_slice %arg4[%add3A_309, %dma_start3A_315, %dma_start3A_316] : memref<4096x50x128xf32, #tpu.memory_space<hbm>> -> memref<4x50x128xf32, #tpu.memory_space<hbm>>
      %dma_start3A_318 = arith.constant 0 : i32
      %dma_start3A_319 = arith.constant 0 : i32
      %dma_start3A_320 = tpu.memref_slice %arg4[%add3A_309, %dma_start3A_318, %dma_start3A_319] : memref<4096x50x128xf32, #tpu.memory_space<hbm>> -> memref<4x50x128xf32, #tpu.memory_space<hbm>>
      %dma_start3A_321 = arith.constant 0 : i32
      %dma_start3A_322 = arith.constant 0 : i32
      %dma_start3A_323 = arith.constant 0 : i32
      %dma_start3A_324 = tpu.memref_slice %arg6[%scan3A_146, %dma_start3A_321, %dma_start3A_322, %dma_start3A_323] : memref<4x4x50x128xf32, #tpu.memory_space<vmem>> -> memref<1x4x50x128xf32, #tpu.memory_space<vmem>>
      %dma_start3A_325 = tpu.memref_squeeze %dma_start3A_324 : memref<1x4x50x128xf32, #tpu.memory_space<vmem>> -> memref<4x50x128xf32, #tpu.memory_space<vmem>>
      tpu.enqueue_dma source(%dma_start3A_325 : memref<4x50x128xf32, #tpu.memory_space<vmem>>) target(%dma_start3A_320 : memref<4x50x128xf32, #tpu.memory_space<hbm>>) target_semaphore(%arg8 : memref<!tpu.dma_semaphore, #tpu.memory_space<semaphore_mem>>)
      %add3A_326 = arith.constant 2 : i32
      %add3A_327 = arith.addi %add3A_226, %add3A_326 : i32
      %lt3A = arith.constant 32 : i32
      %lt3A_328 = arith.cmpi slt, %add3A_327, %lt3A : i32
      %convert_element_type3A = arith.extui %lt3A_328 : i1 to i32
      %cond3A = arith.constant 0 : i32
      %cond3A_329 = arith.cmpi ne, %convert_element_type3A, %cond3A : i32
      scf.if %cond3A_329 {
        %add3A_660 = arith.constant 2 : i32
        %add3A_661 = arith.addi %add3A_226, %add3A_660 : i32
        %ge3A = arith.constant 4 : i32
        %ge3A_662 = arith.cmpi sge, %add3A_661, %ge3A : i32
        %convert_element_type3A_663 = arith.extui %ge3A_662 : i1 to i32
        %cond3A_664 = arith.constant 0 : i32
        %cond3A_665 = arith.cmpi ne, %convert_element_type3A_663, %cond3A_664 : i32
        scf.if %cond3A_665 {
          %mul3A_748 = arith.constant 4 : i32
          %mul3A_749 = arith.muli %add3A_226, %mul3A_748 : i32
          %add3A_750 = arith.addi %mul3A_2, %mul3A_749 : i32
          %dma_wait3A_751 = arith.constant 0 : i32
          %dma_wait3A_752 = arith.constant 0 : i32
          %dma_wait3A_753 = arith.constant 0 : i32
          %dma_wait3A_754 = tpu.memref_slice %arg6[%scan3A_147, %dma_wait3A_751, %dma_wait3A_752, %dma_wait3A_753] : memref<4x4x50x128xf32, #tpu.memory_space<vmem>> -> memref<1x4x50x128xf32, #tpu.memory_space<vmem>>
          %dma_wait3A_755 = tpu.memref_squeeze %dma_wait3A_754 : memref<1x4x50x128xf32, #tpu.memory_space<vmem>> -> memref<4x50x128xf32, #tpu.memory_space<vmem>>
          %dma_wait3A_756 = arith.constant 0 : i32
          %dma_wait3A_757 = arith.constant 0 : i32
          %dma_wait3A_758 = tpu.memref_slice %arg4[%add3A_750, %dma_wait3A_756, %dma_wait3A_757] : memref<4096x50x128xf32, #tpu.memory_space<hbm>> -> memref<4x50x128xf32, #tpu.memory_space<hbm>>
          %dma_wait3A_759 = arith.constant 0 : i32
          %dma_wait3A_760 = arith.constant 0 : i32
          %dma_wait3A_761 = tpu.memref_slice %arg4[%add3A_750, %dma_wait3A_759, %dma_wait3A_760] : memref<4096x50x128xf32, #tpu.memory_space<hbm>> -> memref<4x50x128xf32, #tpu.memory_space<hbm>>
          %dma_wait3A_762 = arith.constant 0 : i32
          %dma_wait3A_763 = arith.constant 0 : i32
          %dma_wait3A_764 = arith.constant 0 : i32
          %dma_wait3A_765 = tpu.memref_slice %arg6[%scan3A_147, %dma_wait3A_762, %dma_wait3A_763, %dma_wait3A_764] : memref<4x4x50x128xf32, #tpu.memory_space<vmem>> -> memref<1x4x50x128xf32, #tpu.memory_space<vmem>>
          %dma_wait3A_766 = tpu.memref_squeeze %dma_wait3A_765 : memref<1x4x50x128xf32, #tpu.memory_space<vmem>> -> memref<4x50x128xf32, #tpu.memory_space<vmem>>
          tpu.wait_dma2 semaphore(%arg8 : memref<!tpu.dma_semaphore, #tpu.memory_space<semaphore_mem>>) src(%dma_wait3A_766 : memref<4x50x128xf32, #tpu.memory_space<vmem>>) dst(%dma_wait3A_761 : memref<4x50x128xf32, #tpu.memory_space<hbm>>)
        } else {
        }
        %add3A_666 = arith.constant 2 : i32
        %add3A_667 = arith.addi %add3A_226, %add3A_666 : i32
        %mul3A_668 = arith.constant 4 : i32
        %mul3A_669 = arith.muli %add3A_667, %mul3A_668 : i32
        %add3A_670 = arith.constant 0 : i32
        %add3A_671 = arith.addi %mul3A_669, %add3A_670 : i32
        %dma_start3A_672 = arith.constant 0 : i32
        %dma_start3A_673 = arith.constant 0 : i32
        %dma_start3A_674 = arith.constant 0 : i32
        %dma_start3A_675 = arith.constant 0 : i32
        %dma_start3A_676 = tpu.memref_slice %arg6[%scan3A_147, %dma_start3A_673, %dma_start3A_674, %dma_start3A_675] : memref<4x4x50x128xf32, #tpu.memory_space<vmem>> -> memref<1x4x50x128xf32, #tpu.memory_space<vmem>>
        %dma_start3A_677 = tpu.memref_squeeze %dma_start3A_676 : memref<1x4x50x128xf32, #tpu.memory_space<vmem>> -> memref<4x50x128xf32, #tpu.memory_space<vmem>>
        %dma_start3A_678 = arith.constant 0 : i32
        %dma_start3A_679 = arith.constant 0 : i32
        %dma_start3A_680 = tpu.memref_slice %dma_start3A_677[%dma_start3A_672, %dma_start3A_678, %dma_start3A_679] : memref<4x50x128xf32, #tpu.memory_space<vmem>> -> memref<1x50x128xf32, #tpu.memory_space<vmem>>
        %dma_start3A_681 = tpu.memref_squeeze %dma_start3A_680 : memref<1x50x128xf32, #tpu.memory_space<vmem>> -> memref<50x128xf32, #tpu.memory_space<vmem>>
        %dma_start3A_682 = arith.constant 0 : i32
        %dma_start3A_683 = tpu.memref_slice %arg5[%add3A_671, %dma_start3A_682] : memref<128x50xi32, #tpu.memory_space<vmem>> -> memref<1x50xi32, #tpu.memory_space<vmem>>
        %dma_start3A_684 = tpu.memref_squeeze %dma_start3A_683 : memref<1x50xi32, #tpu.memory_space<vmem>> -> memref<50xi32, #tpu.memory_space<vmem>>
        %dma_start3A_685 = arith.constant 0 : i32
        %dma_start3A_686 = arith.constant 0 : i32
        %dma_start3A_687 = tpu.memref_slice %arg2[%dma_start3A_685, %dma_start3A_686] : memref<100000x128xf32, #tpu.memory_space<hbm>> -> memref<100000x128xf32, #tpu.memory_space<hbm>>
        tpu.enqueue_indirect_dma source(%dma_start3A_687 : memref<100000x128xf32, #tpu.memory_space<hbm>>) target(%dma_start3A_681 : memref<50x128xf32, #tpu.memory_space<vmem>>) offsets(%dma_start3A_684 : memref<50xi32, #tpu.memory_space<vmem>>) semaphore(%arg7 : memref<!tpu.dma_semaphore, #tpu.memory_space<semaphore_mem>>)
        %mul3A_688 = arith.constant 4 : i32
        %mul3A_689 = arith.muli %add3A_667, %mul3A_688 : i32
        %add3A_690 = arith.constant 1 : i32
        %add3A_691 = arith.addi %mul3A_689, %add3A_690 : i32
        %dma_start3A_692 = arith.constant 1 : i32
        %dma_start3A_693 = arith.constant 0 : i32
        %dma_start3A_694 = arith.constant 0 : i32
        %dma_start3A_695 = arith.constant 0 : i32
        %dma_start3A_696 = tpu.memref_slice %arg6[%scan3A_147, %dma_start3A_693, %dma_start3A_694, %dma_start3A_695] : memref<4x4x50x128xf32, #tpu.memory_space<vmem>> -> memref<1x4x50x128xf32, #tpu.memory_space<vmem>>
        %dma_start3A_697 = tpu.memref_squeeze %dma_start3A_696 : memref<1x4x50x128xf32, #tpu.memory_space<vmem>> -> memref<4x50x128xf32, #tpu.memory_space<vmem>>
        %dma_start3A_698 = arith.constant 0 : i32
        %dma_start3A_699 = arith.constant 0 : i32
        %dma_start3A_700 = tpu.memref_slice %dma_start3A_697[%dma_start3A_692, %dma_start3A_698, %dma_start3A_699] : memref<4x50x128xf32, #tpu.memory_space<vmem>> -> memref<1x50x128xf32, #tpu.memory_space<vmem>>
        %dma_start3A_701 = tpu.memref_squeeze %dma_start3A_700 : memref<1x50x128xf32, #tpu.memory_space<vmem>> -> memref<50x128xf32, #tpu.memory_space<vmem>>
        %dma_start3A_702 = arith.constant 0 : i32
        %dma_start3A_703 = tpu.memref_slice %arg5[%add3A_691, %dma_start3A_702] : memref<128x50xi32, #tpu.memory_space<vmem>> -> memref<1x50xi32, #tpu.memory_space<vmem>>
        %dma_start3A_704 = tpu.memref_squeeze %dma_start3A_703 : memref<1x50xi32, #tpu.memory_space<vmem>> -> memref<50xi32, #tpu.memory_space<vmem>>
        %dma_start3A_705 = arith.constant 0 : i32
        %dma_start3A_706 = arith.constant 0 : i32
        %dma_start3A_707 = tpu.memref_slice %arg2[%dma_start3A_705, %dma_start3A_706] : memref<100000x128xf32, #tpu.memory_space<hbm>> -> memref<100000x128xf32, #tpu.memory_space<hbm>>
        tpu.enqueue_indirect_dma source(%dma_start3A_707 : memref<100000x128xf32, #tpu.memory_space<hbm>>) target(%dma_start3A_701 : memref<50x128xf32, #tpu.memory_space<vmem>>) offsets(%dma_start3A_704 : memref<50xi32, #tpu.memory_space<vmem>>) semaphore(%arg7 : memref<!tpu.dma_semaphore, #tpu.memory_space<semaphore_mem>>)
        %mul3A_708 = arith.constant 4 : i32
        %mul3A_709 = arith.muli %add3A_667, %mul3A_708 : i32
        %add3A_710 = arith.constant 2 : i32
        %add3A_711 = arith.addi %mul3A_709, %add3A_710 : i32
        %dma_start3A_712 = arith.constant 2 : i32
        %dma_start3A_713 = arith.constant 0 : i32
        %dma_start3A_714 = arith.constant 0 : i32
        %dma_start3A_715 = arith.constant 0 : i32
        %dma_start3A_716 = tpu.memref_slice %arg6[%scan3A_147, %dma_start3A_713, %dma_start3A_714, %dma_start3A_715] : memref<4x4x50x128xf32, #tpu.memory_space<vmem>> -> memref<1x4x50x128xf32, #tpu.memory_space<vmem>>
        %dma_start3A_717 = tpu.memref_squeeze %dma_start3A_716 : memref<1x4x50x128xf32, #tpu.memory_space<vmem>> -> memref<4x50x128xf32, #tpu.memory_space<vmem>>
        %dma_start3A_718 = arith.constant 0 : i32
        %dma_start3A_719 = arith.constant 0 : i32
        %dma_start3A_720 = tpu.memref_slice %dma_start3A_717[%dma_start3A_712, %dma_start3A_718, %dma_start3A_719] : memref<4x50x128xf32, #tpu.memory_space<vmem>> -> memref<1x50x128xf32, #tpu.memory_space<vmem>>
        %dma_start3A_721 = tpu.memref_squeeze %dma_start3A_720 : memref<1x50x128xf32, #tpu.memory_space<vmem>> -> memref<50x128xf32, #tpu.memory_space<vmem>>
        %dma_start3A_722 = arith.constant 0 : i32
        %dma_start3A_723 = tpu.memref_slice %arg5[%add3A_711, %dma_start3A_722] : memref<128x50xi32, #tpu.memory_space<vmem>> -> memref<1x50xi32, #tpu.memory_space<vmem>>
        %dma_start3A_724 = tpu.memref_squeeze %dma_start3A_723 : memref<1x50xi32, #tpu.memory_space<vmem>> -> memref<50xi32, #tpu.memory_space<vmem>>
        %dma_start3A_725 = arith.constant 0 : i32
        %dma_start3A_726 = arith.constant 0 : i32
        %dma_start3A_727 = tpu.memref_slice %arg2[%dma_start3A_725, %dma_start3A_726] : memref<100000x128xf32, #tpu.memory_space<hbm>> -> memref<100000x128xf32, #tpu.memory_space<hbm>>
        tpu.enqueue_indirect_dma source(%dma_start3A_727 : memref<100000x128xf32, #tpu.memory_space<hbm>>) target(%dma_start3A_721 : memref<50x128xf32, #tpu.memory_space<vmem>>) offsets(%dma_start3A_724 : memref<50xi32, #tpu.memory_space<vmem>>) semaphore(%arg7 : memref<!tpu.dma_semaphore, #tpu.memory_space<semaphore_mem>>)
        %mul3A_728 = arith.constant 4 : i32
        %mul3A_729 = arith.muli %add3A_667, %mul3A_728 : i32
        %add3A_730 = arith.constant 3 : i32
        %add3A_731 = arith.addi %mul3A_729, %add3A_730 : i32
        %dma_start3A_732 = arith.constant 3 : i32
        %dma_start3A_733 = arith.constant 0 : i32
        %dma_start3A_734 = arith.constant 0 : i32
        %dma_start3A_735 = arith.constant 0 : i32
        %dma_start3A_736 = tpu.memref_slice %arg6[%scan3A_147, %dma_start3A_733, %dma_start3A_734, %dma_start3A_735] : memref<4x4x50x128xf32, #tpu.memory_space<vmem>> -> memref<1x4x50x128xf32, #tpu.memory_space<vmem>>
        %dma_start3A_737 = tpu.memref_squeeze %dma_start3A_736 : memref<1x4x50x128xf32, #tpu.memory_space<vmem>> -> memref<4x50x128xf32, #tpu.memory_space<vmem>>
        %dma_start3A_738 = arith.constant 0 : i32
        %dma_start3A_739 = arith.constant 0 : i32
        %dma_start3A_740 = tpu.memref_slice %dma_start3A_737[%dma_start3A_732, %dma_start3A_738, %dma_start3A_739] : memref<4x50x128xf32, #tpu.memory_space<vmem>> -> memref<1x50x128xf32, #tpu.memory_space<vmem>>
        %dma_start3A_741 = tpu.memref_squeeze %dma_start3A_740 : memref<1x50x128xf32, #tpu.memory_space<vmem>> -> memref<50x128xf32, #tpu.memory_space<vmem>>
        %dma_start3A_742 = arith.constant 0 : i32
        %dma_start3A_743 = tpu.memref_slice %arg5[%add3A_731, %dma_start3A_742] : memref<128x50xi32, #tpu.memory_space<vmem>> -> memref<1x50xi32, #tpu.memory_space<vmem>>
        %dma_start3A_744 = tpu.memref_squeeze %dma_start3A_743 : memref<1x50xi32, #tpu.memory_space<vmem>> -> memref<50xi32, #tpu.memory_space<vmem>>
        %dma_start3A_745 = arith.constant 0 : i32
        %dma_start3A_746 = arith.constant 0 : i32
        %dma_start3A_747 = tpu.memref_slice %arg2[%dma_start3A_745, %dma_start3A_746] : memref<100000x128xf32, #tpu.memory_space<hbm>> -> memref<100000x128xf32, #tpu.memory_space<hbm>>
        tpu.enqueue_indirect_dma source(%dma_start3A_747 : memref<100000x128xf32, #tpu.memory_space<hbm>>) target(%dma_start3A_741 : memref<50x128xf32, #tpu.memory_space<vmem>>) offsets(%dma_start3A_744 : memref<50xi32, #tpu.memory_space<vmem>>) semaphore(%arg7 : memref<!tpu.dma_semaphore, #tpu.memory_space<semaphore_mem>>)
      } else {
      }
      %mul3A_330 = arith.constant 4 : i32
      %mul3A_331 = arith.muli %scan3A_222, %mul3A_330 : i32
      %add3A_332 = arith.constant 1 : i32
      %add3A_333 = arith.addi %mul3A_331, %add3A_332 : i32
      %mul3A_334 = arith.constant 4 : i32
      %mul3A_335 = arith.muli %add3A_333, %mul3A_334 : i32
      %add3A_336 = arith.constant 0 : i32
      %add3A_337 = arith.addi %mul3A_335, %add3A_336 : i32
      %dma_wait3A_338 = arith.constant 0 : i32
      %dma_wait3A_339 = arith.constant 0 : i32
      %dma_wait3A_340 = arith.constant 0 : i32
      %dma_wait3A_341 = arith.constant 0 : i32
      %dma_wait3A_342 = tpu.memref_slice %arg6[%scan3A_148, %dma_wait3A_339, %dma_wait3A_340, %dma_wait3A_341] : memref<4x4x50x128xf32, #tpu.memory_space<vmem>> -> memref<1x4x50x128xf32, #tpu.memory_space<vmem>>
      %dma_wait3A_343 = tpu.memref_squeeze %dma_wait3A_342 : memref<1x4x50x128xf32, #tpu.memory_space<vmem>> -> memref<4x50x128xf32, #tpu.memory_space<vmem>>
      %dma_wait3A_344 = arith.constant 0 : i32
      %dma_wait3A_345 = arith.constant 0 : i32
      %dma_wait3A_346 = tpu.memref_slice %dma_wait3A_343[%dma_wait3A_338, %dma_wait3A_344, %dma_wait3A_345] : memref<4x50x128xf32, #tpu.memory_space<vmem>> -> memref<1x50x128xf32, #tpu.memory_space<vmem>>
      %dma_wait3A_347 = tpu.memref_squeeze %dma_wait3A_346 : memref<1x50x128xf32, #tpu.memory_space<vmem>> -> memref<50x128xf32, #tpu.memory_space<vmem>>
      %dma_wait3A_348 = arith.constant 0 : i32
      %dma_wait3A_349 = tpu.memref_slice %arg5[%add3A_337, %dma_wait3A_348] : memref<128x50xi32, #tpu.memory_space<vmem>> -> memref<1x50xi32, #tpu.memory_space<vmem>>
      %dma_wait3A_350 = tpu.memref_squeeze %dma_wait3A_349 : memref<1x50xi32, #tpu.memory_space<vmem>> -> memref<50xi32, #tpu.memory_space<vmem>>
      %dma_wait3A_351 = arith.constant 0 : i32
      %dma_wait3A_352 = arith.constant 0 : i32
      %dma_wait3A_353 = tpu.memref_slice %arg2[%dma_wait3A_351, %dma_wait3A_352] : memref<100000x128xf32, #tpu.memory_space<hbm>> -> memref<100000x128xf32, #tpu.memory_space<hbm>>
      tpu.wait_indirect_dma semaphore(%arg7 : memref<!tpu.dma_semaphore, #tpu.memory_space<semaphore_mem>>) src(%dma_wait3A_353 : memref<100000x128xf32, #tpu.memory_space<hbm>>) dst(%dma_wait3A_347 : memref<50x128xf32, #tpu.memory_space<vmem>>)
      %mul3A_354 = arith.constant 4 : i32
      %mul3A_355 = arith.muli %add3A_333, %mul3A_354 : i32
      %add3A_356 = arith.constant 1 : i32
      %add3A_357 = arith.addi %mul3A_355, %add3A_356 : i32
      %dma_wait3A_358 = arith.constant 1 : i32
      %dma_wait3A_359 = arith.constant 0 : i32
      %dma_wait3A_360 = arith.constant 0 : i32
      %dma_wait3A_361 = arith.constant 0 : i32
      %dma_wait3A_362 = tpu.memref_slice %arg6[%scan3A_148, %dma_wait3A_359, %dma_wait3A_360, %dma_wait3A_361] : memref<4x4x50x128xf32, #tpu.memory_space<vmem>> -> memref<1x4x50x128xf32, #tpu.memory_space<vmem>>
      %dma_wait3A_363 = tpu.memref_squeeze %dma_wait3A_362 : memref<1x4x50x128xf32, #tpu.memory_space<vmem>> -> memref<4x50x128xf32, #tpu.memory_space<vmem>>
      %dma_wait3A_364 = arith.constant 0 : i32
      %dma_wait3A_365 = arith.constant 0 : i32
      %dma_wait3A_366 = tpu.memref_slice %dma_wait3A_363[%dma_wait3A_358, %dma_wait3A_364, %dma_wait3A_365] : memref<4x50x128xf32, #tpu.memory_space<vmem>> -> memref<1x50x128xf32, #tpu.memory_space<vmem>>
      %dma_wait3A_367 = tpu.memref_squeeze %dma_wait3A_366 : memref<1x50x128xf32, #tpu.memory_space<vmem>> -> memref<50x128xf32, #tpu.memory_space<vmem>>
      %dma_wait3A_368 = arith.constant 0 : i32
      %dma_wait3A_369 = tpu.memref_slice %arg5[%add3A_357, %dma_wait3A_368] : memref<128x50xi32, #tpu.memory_space<vmem>> -> memref<1x50xi32, #tpu.memory_space<vmem>>
      %dma_wait3A_370 = tpu.memref_squeeze %dma_wait3A_369 : memref<1x50xi32, #tpu.memory_space<vmem>> -> memref<50xi32, #tpu.memory_space<vmem>>
      %dma_wait3A_371 = arith.constant 0 : i32
      %dma_wait3A_372 = arith.constant 0 : i32
      %dma_wait3A_373 = tpu.memref_slice %arg2[%dma_wait3A_371, %dma_wait3A_372] : memref<100000x128xf32, #tpu.memory_space<hbm>> -> memref<100000x128xf32, #tpu.memory_space<hbm>>
      tpu.wait_indirect_dma semaphore(%arg7 : memref<!tpu.dma_semaphore, #tpu.memory_space<semaphore_mem>>) src(%dma_wait3A_373 : memref<100000x128xf32, #tpu.memory_space<hbm>>) dst(%dma_wait3A_367 : memref<50x128xf32, #tpu.memory_space<vmem>>)
      %mul3A_374 = arith.constant 4 : i32
      %mul3A_375 = arith.muli %add3A_333, %mul3A_374 : i32
      %add3A_376 = arith.constant 2 : i32
      %add3A_377 = arith.addi %mul3A_375, %add3A_376 : i32
      %dma_wait3A_378 = arith.constant 2 : i32
      %dma_wait3A_379 = arith.constant 0 : i32
      %dma_wait3A_380 = arith.constant 0 : i32
      %dma_wait3A_381 = arith.constant 0 : i32
      %dma_wait3A_382 = tpu.memref_slice %arg6[%scan3A_148, %dma_wait3A_379, %dma_wait3A_380, %dma_wait3A_381] : memref<4x4x50x128xf32, #tpu.memory_space<vmem>> -> memref<1x4x50x128xf32, #tpu.memory_space<vmem>>
      %dma_wait3A_383 = tpu.memref_squeeze %dma_wait3A_382 : memref<1x4x50x128xf32, #tpu.memory_space<vmem>> -> memref<4x50x128xf32, #tpu.memory_space<vmem>>
      %dma_wait3A_384 = arith.constant 0 : i32
      %dma_wait3A_385 = arith.constant 0 : i32
      %dma_wait3A_386 = tpu.memref_slice %dma_wait3A_383[%dma_wait3A_378, %dma_wait3A_384, %dma_wait3A_385] : memref<4x50x128xf32, #tpu.memory_space<vmem>> -> memref<1x50x128xf32, #tpu.memory_space<vmem>>
      %dma_wait3A_387 = tpu.memref_squeeze %dma_wait3A_386 : memref<1x50x128xf32, #tpu.memory_space<vmem>> -> memref<50x128xf32, #tpu.memory_space<vmem>>
      %dma_wait3A_388 = arith.constant 0 : i32
      %dma_wait3A_389 = tpu.memref_slice %arg5[%add3A_377, %dma_wait3A_388] : memref<128x50xi32, #tpu.memory_space<vmem>> -> memref<1x50xi32, #tpu.memory_space<vmem>>
      %dma_wait3A_390 = tpu.memref_squeeze %dma_wait3A_389 : memref<1x50xi32, #tpu.memory_space<vmem>> -> memref<50xi32, #tpu.memory_space<vmem>>
      %dma_wait3A_391 = arith.constant 0 : i32
      %dma_wait3A_392 = arith.constant 0 : i32
      %dma_wait3A_393 = tpu.memref_slice %arg2[%dma_wait3A_391, %dma_wait3A_392] : memref<100000x128xf32, #tpu.memory_space<hbm>> -> memref<100000x128xf32, #tpu.memory_space<hbm>>
      tpu.wait_indirect_dma semaphore(%arg7 : memref<!tpu.dma_semaphore, #tpu.memory_space<semaphore_mem>>) src(%dma_wait3A_393 : memref<100000x128xf32, #tpu.memory_space<hbm>>) dst(%dma_wait3A_387 : memref<50x128xf32, #tpu.memory_space<vmem>>)
      %mul3A_394 = arith.constant 4 : i32
      %mul3A_395 = arith.muli %add3A_333, %mul3A_394 : i32
      %add3A_396 = arith.constant 3 : i32
      %add3A_397 = arith.addi %mul3A_395, %add3A_396 : i32
      %dma_wait3A_398 = arith.constant 3 : i32
      %dma_wait3A_399 = arith.constant 0 : i32
      %dma_wait3A_400 = arith.constant 0 : i32
      %dma_wait3A_401 = arith.constant 0 : i32
      %dma_wait3A_402 = tpu.memref_slice %arg6[%scan3A_148, %dma_wait3A_399, %dma_wait3A_400, %dma_wait3A_401] : memref<4x4x50x128xf32, #tpu.memory_space<vmem>> -> memref<1x4x50x128xf32, #tpu.memory_space<vmem>>
      %dma_wait3A_403 = tpu.memref_squeeze %dma_wait3A_402 : memref<1x4x50x128xf32, #tpu.memory_space<vmem>> -> memref<4x50x128xf32, #tpu.memory_space<vmem>>
      %dma_wait3A_404 = arith.constant 0 : i32
      %dma_wait3A_405 = arith.constant 0 : i32
      %dma_wait3A_406 = tpu.memref_slice %dma_wait3A_403[%dma_wait3A_398, %dma_wait3A_404, %dma_wait3A_405] : memref<4x50x128xf32, #tpu.memory_space<vmem>> -> memref<1x50x128xf32, #tpu.memory_space<vmem>>
      %dma_wait3A_407 = tpu.memref_squeeze %dma_wait3A_406 : memref<1x50x128xf32, #tpu.memory_space<vmem>> -> memref<50x128xf32, #tpu.memory_space<vmem>>
      %dma_wait3A_408 = arith.constant 0 : i32
      %dma_wait3A_409 = tpu.memref_slice %arg5[%add3A_397, %dma_wait3A_408] : memref<128x50xi32, #tpu.memory_space<vmem>> -> memref<1x50xi32, #tpu.memory_space<vmem>>
      %dma_wait3A_410 = tpu.memref_squeeze %dma_wait3A_409 : memref<1x50xi32, #tpu.memory_space<vmem>> -> memref<50xi32, #tpu.memory_space<vmem>>
      %dma_wait3A_411 = arith.constant 0 : i32
      %dma_wait3A_412 = arith.constant 0 : i32
      %dma_wait3A_413 = tpu.memref_slice %arg2[%dma_wait3A_411, %dma_wait3A_412] : memref<100000x128xf32, #tpu.memory_space<hbm>> -> memref<100000x128xf32, #tpu.memory_space<hbm>>
      tpu.wait_indirect_dma semaphore(%arg7 : memref<!tpu.dma_semaphore, #tpu.memory_space<semaphore_mem>>) src(%dma_wait3A_413 : memref<100000x128xf32, #tpu.memory_space<hbm>>) dst(%dma_wait3A_407 : memref<50x128xf32, #tpu.memory_space<vmem>>)
      %mul3A_414 = arith.constant 4 : i32
      %mul3A_415 = arith.muli %add3A_333, %mul3A_414 : i32
      %add3A_416 = arith.addi %mul3A_2, %mul3A_415 : i32
      %dma_start3A_417 = arith.constant 0 : i32
      %dma_start3A_418 = arith.constant 0 : i32
      %dma_start3A_419 = arith.constant 0 : i32
      %dma_start3A_420 = tpu.memref_slice %arg6[%scan3A_148, %dma_start3A_417, %dma_start3A_418, %dma_start3A_419] : memref<4x4x50x128xf32, #tpu.memory_space<vmem>> -> memref<1x4x50x128xf32, #tpu.memory_space<vmem>>
      %dma_start3A_421 = tpu.memref_squeeze %dma_start3A_420 : memref<1x4x50x128xf32, #tpu.memory_space<vmem>> -> memref<4x50x128xf32, #tpu.memory_space<vmem>>
      %dma_start3A_422 = arith.constant 0 : i32
      %dma_start3A_423 = arith.constant 0 : i32
      %dma_start3A_424 = tpu.memref_slice %arg4[%add3A_416, %dma_start3A_422, %dma_start3A_423] : memref<4096x50x128xf32, #tpu.memory_space<hbm>> -> memref<4x50x128xf32, #tpu.memory_space<hbm>>
      %dma_start3A_425 = arith.constant 0 : i32
      %dma_start3A_426 = arith.constant 0 : i32
      %dma_start3A_427 = tpu.memref_slice %arg4[%add3A_416, %dma_start3A_425, %dma_start3A_426] : memref<4096x50x128xf32, #tpu.memory_space<hbm>> -> memref<4x50x128xf32, #tpu.memory_space<hbm>>
      %dma_start3A_428 = arith.constant 0 : i32
      %dma_start3A_429 = arith.constant 0 : i32
      %dma_start3A_430 = arith.constant 0 : i32
      %dma_start3A_431 = tpu.memref_slice %arg6[%scan3A_148, %dma_start3A_428, %dma_start3A_429, %dma_start3A_430] : memref<4x4x50x128xf32, #tpu.memory_space<vmem>> -> memref<1x4x50x128xf32, #tpu.memory_space<vmem>>
      %dma_start3A_432 = tpu.memref_squeeze %dma_start3A_431 : memref<1x4x50x128xf32, #tpu.memory_space<vmem>> -> memref<4x50x128xf32, #tpu.memory_space<vmem>>
      tpu.enqueue_dma source(%dma_start3A_432 : memref<4x50x128xf32, #tpu.memory_space<vmem>>) target(%dma_start3A_427 : memref<4x50x128xf32, #tpu.memory_space<hbm>>) target_semaphore(%arg8 : memref<!tpu.dma_semaphore, #tpu.memory_space<semaphore_mem>>)
      %add3A_433 = arith.constant 2 : i32
      %add3A_434 = arith.addi %add3A_333, %add3A_433 : i32
      %lt3A_435 = arith.constant 32 : i32
      %lt3A_436 = arith.cmpi slt, %add3A_434, %lt3A_435 : i32
      %convert_element_type3A_437 = arith.extui %lt3A_436 : i1 to i32
      %cond3A_438 = arith.constant 0 : i32
      %cond3A_439 = arith.cmpi ne, %convert_element_type3A_437, %cond3A_438 : i32
      scf.if %cond3A_439 {
        %add3A_660 = arith.constant 2 : i32
        %add3A_661 = arith.addi %add3A_333, %add3A_660 : i32
        %ge3A = arith.constant 4 : i32
        %ge3A_662 = arith.cmpi sge, %add3A_661, %ge3A : i32
        %convert_element_type3A_663 = arith.extui %ge3A_662 : i1 to i32
        %cond3A_664 = arith.constant 0 : i32
        %cond3A_665 = arith.cmpi ne, %convert_element_type3A_663, %cond3A_664 : i32
        scf.if %cond3A_665 {
          %mul3A_748 = arith.constant 4 : i32
          %mul3A_749 = arith.muli %add3A_333, %mul3A_748 : i32
          %add3A_750 = arith.addi %mul3A_2, %mul3A_749 : i32
          %dma_wait3A_751 = arith.constant 0 : i32
          %dma_wait3A_752 = arith.constant 0 : i32
          %dma_wait3A_753 = arith.constant 0 : i32
          %dma_wait3A_754 = tpu.memref_slice %arg6[%scan3A_149, %dma_wait3A_751, %dma_wait3A_752, %dma_wait3A_753] : memref<4x4x50x128xf32, #tpu.memory_space<vmem>> -> memref<1x4x50x128xf32, #tpu.memory_space<vmem>>
          %dma_wait3A_755 = tpu.memref_squeeze %dma_wait3A_754 : memref<1x4x50x128xf32, #tpu.memory_space<vmem>> -> memref<4x50x128xf32, #tpu.memory_space<vmem>>
          %dma_wait3A_756 = arith.constant 0 : i32
          %dma_wait3A_757 = arith.constant 0 : i32
          %dma_wait3A_758 = tpu.memref_slice %arg4[%add3A_750, %dma_wait3A_756, %dma_wait3A_757] : memref<4096x50x128xf32, #tpu.memory_space<hbm>> -> memref<4x50x128xf32, #tpu.memory_space<hbm>>
          %dma_wait3A_759 = arith.constant 0 : i32
          %dma_wait3A_760 = arith.constant 0 : i32
          %dma_wait3A_761 = tpu.memref_slice %arg4[%add3A_750, %dma_wait3A_759, %dma_wait3A_760] : memref<4096x50x128xf32, #tpu.memory_space<hbm>> -> memref<4x50x128xf32, #tpu.memory_space<hbm>>
          %dma_wait3A_762 = arith.constant 0 : i32
          %dma_wait3A_763 = arith.constant 0 : i32
          %dma_wait3A_764 = arith.constant 0 : i32
          %dma_wait3A_765 = tpu.memref_slice %arg6[%scan3A_149, %dma_wait3A_762, %dma_wait3A_763, %dma_wait3A_764] : memref<4x4x50x128xf32, #tpu.memory_space<vmem>> -> memref<1x4x50x128xf32, #tpu.memory_space<vmem>>
          %dma_wait3A_766 = tpu.memref_squeeze %dma_wait3A_765 : memref<1x4x50x128xf32, #tpu.memory_space<vmem>> -> memref<4x50x128xf32, #tpu.memory_space<vmem>>
          tpu.wait_dma2 semaphore(%arg8 : memref<!tpu.dma_semaphore, #tpu.memory_space<semaphore_mem>>) src(%dma_wait3A_766 : memref<4x50x128xf32, #tpu.memory_space<vmem>>) dst(%dma_wait3A_761 : memref<4x50x128xf32, #tpu.memory_space<hbm>>)
        } else {
        }
        %add3A_666 = arith.constant 2 : i32
        %add3A_667 = arith.addi %add3A_333, %add3A_666 : i32
        %mul3A_668 = arith.constant 4 : i32
        %mul3A_669 = arith.muli %add3A_667, %mul3A_668 : i32
        %add3A_670 = arith.constant 0 : i32
        %add3A_671 = arith.addi %mul3A_669, %add3A_670 : i32
        %dma_start3A_672 = arith.constant 0 : i32
        %dma_start3A_673 = arith.constant 0 : i32
        %dma_start3A_674 = arith.constant 0 : i32
        %dma_start3A_675 = arith.constant 0 : i32
        %dma_start3A_676 = tpu.memref_slice %arg6[%scan3A_149, %dma_start3A_673, %dma_start3A_674, %dma_start3A_675] : memref<4x4x50x128xf32, #tpu.memory_space<vmem>> -> memref<1x4x50x128xf32, #tpu.memory_space<vmem>>
        %dma_start3A_677 = tpu.memref_squeeze %dma_start3A_676 : memref<1x4x50x128xf32, #tpu.memory_space<vmem>> -> memref<4x50x128xf32, #tpu.memory_space<vmem>>
        %dma_start3A_678 = arith.constant 0 : i32
        %dma_start3A_679 = arith.constant 0 : i32
        %dma_start3A_680 = tpu.memref_slice %dma_start3A_677[%dma_start3A_672, %dma_start3A_678, %dma_start3A_679] : memref<4x50x128xf32, #tpu.memory_space<vmem>> -> memref<1x50x128xf32, #tpu.memory_space<vmem>>
        %dma_start3A_681 = tpu.memref_squeeze %dma_start3A_680 : memref<1x50x128xf32, #tpu.memory_space<vmem>> -> memref<50x128xf32, #tpu.memory_space<vmem>>
        %dma_start3A_682 = arith.constant 0 : i32
        %dma_start3A_683 = tpu.memref_slice %arg5[%add3A_671, %dma_start3A_682] : memref<128x50xi32, #tpu.memory_space<vmem>> -> memref<1x50xi32, #tpu.memory_space<vmem>>
        %dma_start3A_684 = tpu.memref_squeeze %dma_start3A_683 : memref<1x50xi32, #tpu.memory_space<vmem>> -> memref<50xi32, #tpu.memory_space<vmem>>
        %dma_start3A_685 = arith.constant 0 : i32
        %dma_start3A_686 = arith.constant 0 : i32
        %dma_start3A_687 = tpu.memref_slice %arg2[%dma_start3A_685, %dma_start3A_686] : memref<100000x128xf32, #tpu.memory_space<hbm>> -> memref<100000x128xf32, #tpu.memory_space<hbm>>
        tpu.enqueue_indirect_dma source(%dma_start3A_687 : memref<100000x128xf32, #tpu.memory_space<hbm>>) target(%dma_start3A_681 : memref<50x128xf32, #tpu.memory_space<vmem>>) offsets(%dma_start3A_684 : memref<50xi32, #tpu.memory_space<vmem>>) semaphore(%arg7 : memref<!tpu.dma_semaphore, #tpu.memory_space<semaphore_mem>>)
        %mul3A_688 = arith.constant 4 : i32
        %mul3A_689 = arith.muli %add3A_667, %mul3A_688 : i32
        %add3A_690 = arith.constant 1 : i32
        %add3A_691 = arith.addi %mul3A_689, %add3A_690 : i32
        %dma_start3A_692 = arith.constant 1 : i32
        %dma_start3A_693 = arith.constant 0 : i32
        %dma_start3A_694 = arith.constant 0 : i32
        %dma_start3A_695 = arith.constant 0 : i32
        %dma_start3A_696 = tpu.memref_slice %arg6[%scan3A_149, %dma_start3A_693, %dma_start3A_694, %dma_start3A_695] : memref<4x4x50x128xf32, #tpu.memory_space<vmem>> -> memref<1x4x50x128xf32, #tpu.memory_space<vmem>>
        %dma_start3A_697 = tpu.memref_squeeze %dma_start3A_696 : memref<1x4x50x128xf32, #tpu.memory_space<vmem>> -> memref<4x50x128xf32, #tpu.memory_space<vmem>>
        %dma_start3A_698 = arith.constant 0 : i32
        %dma_start3A_699 = arith.constant 0 : i32
        %dma_start3A_700 = tpu.memref_slice %dma_start3A_697[%dma_start3A_692, %dma_start3A_698, %dma_start3A_699] : memref<4x50x128xf32, #tpu.memory_space<vmem>> -> memref<1x50x128xf32, #tpu.memory_space<vmem>>
        %dma_start3A_701 = tpu.memref_squeeze %dma_start3A_700 : memref<1x50x128xf32, #tpu.memory_space<vmem>> -> memref<50x128xf32, #tpu.memory_space<vmem>>
        %dma_start3A_702 = arith.constant 0 : i32
        %dma_start3A_703 = tpu.memref_slice %arg5[%add3A_691, %dma_start3A_702] : memref<128x50xi32, #tpu.memory_space<vmem>> -> memref<1x50xi32, #tpu.memory_space<vmem>>
        %dma_start3A_704 = tpu.memref_squeeze %dma_start3A_703 : memref<1x50xi32, #tpu.memory_space<vmem>> -> memref<50xi32, #tpu.memory_space<vmem>>
        %dma_start3A_705 = arith.constant 0 : i32
        %dma_start3A_706 = arith.constant 0 : i32
        %dma_start3A_707 = tpu.memref_slice %arg2[%dma_start3A_705, %dma_start3A_706] : memref<100000x128xf32, #tpu.memory_space<hbm>> -> memref<100000x128xf32, #tpu.memory_space<hbm>>
        tpu.enqueue_indirect_dma source(%dma_start3A_707 : memref<100000x128xf32, #tpu.memory_space<hbm>>) target(%dma_start3A_701 : memref<50x128xf32, #tpu.memory_space<vmem>>) offsets(%dma_start3A_704 : memref<50xi32, #tpu.memory_space<vmem>>) semaphore(%arg7 : memref<!tpu.dma_semaphore, #tpu.memory_space<semaphore_mem>>)
        %mul3A_708 = arith.constant 4 : i32
        %mul3A_709 = arith.muli %add3A_667, %mul3A_708 : i32
        %add3A_710 = arith.constant 2 : i32
        %add3A_711 = arith.addi %mul3A_709, %add3A_710 : i32
        %dma_start3A_712 = arith.constant 2 : i32
        %dma_start3A_713 = arith.constant 0 : i32
        %dma_start3A_714 = arith.constant 0 : i32
        %dma_start3A_715 = arith.constant 0 : i32
        %dma_start3A_716 = tpu.memref_slice %arg6[%scan3A_149, %dma_start3A_713, %dma_start3A_714, %dma_start3A_715] : memref<4x4x50x128xf32, #tpu.memory_space<vmem>> -> memref<1x4x50x128xf32, #tpu.memory_space<vmem>>
        %dma_start3A_717 = tpu.memref_squeeze %dma_start3A_716 : memref<1x4x50x128xf32, #tpu.memory_space<vmem>> -> memref<4x50x128xf32, #tpu.memory_space<vmem>>
        %dma_start3A_718 = arith.constant 0 : i32
        %dma_start3A_719 = arith.constant 0 : i32
        %dma_start3A_720 = tpu.memref_slice %dma_start3A_717[%dma_start3A_712, %dma_start3A_718, %dma_start3A_719] : memref<4x50x128xf32, #tpu.memory_space<vmem>> -> memref<1x50x128xf32, #tpu.memory_space<vmem>>
        %dma_start3A_721 = tpu.memref_squeeze %dma_start3A_720 : memref<1x50x128xf32, #tpu.memory_space<vmem>> -> memref<50x128xf32, #tpu.memory_space<vmem>>
        %dma_start3A_722 = arith.constant 0 : i32
        %dma_start3A_723 = tpu.memref_slice %arg5[%add3A_711, %dma_start3A_722] : memref<128x50xi32, #tpu.memory_space<vmem>> -> memref<1x50xi32, #tpu.memory_space<vmem>>
        %dma_start3A_724 = tpu.memref_squeeze %dma_start3A_723 : memref<1x50xi32, #tpu.memory_space<vmem>> -> memref<50xi32, #tpu.memory_space<vmem>>
        %dma_start3A_725 = arith.constant 0 : i32
        %dma_start3A_726 = arith.constant 0 : i32
        %dma_start3A_727 = tpu.memref_slice %arg2[%dma_start3A_725, %dma_start3A_726] : memref<100000x128xf32, #tpu.memory_space<hbm>> -> memref<100000x128xf32, #tpu.memory_space<hbm>>
        tpu.enqueue_indirect_dma source(%dma_start3A_727 : memref<100000x128xf32, #tpu.memory_space<hbm>>) target(%dma_start3A_721 : memref<50x128xf32, #tpu.memory_space<vmem>>) offsets(%dma_start3A_724 : memref<50xi32, #tpu.memory_space<vmem>>) semaphore(%arg7 : memref<!tpu.dma_semaphore, #tpu.memory_space<semaphore_mem>>)
        %mul3A_728 = arith.constant 4 : i32
        %mul3A_729 = arith.muli %add3A_667, %mul3A_728 : i32
        %add3A_730 = arith.constant 3 : i32
        %add3A_731 = arith.addi %mul3A_729, %add3A_730 : i32
        %dma_start3A_732 = arith.constant 3 : i32
        %dma_start3A_733 = arith.constant 0 : i32
        %dma_start3A_734 = arith.constant 0 : i32
        %dma_start3A_735 = arith.constant 0 : i32
        %dma_start3A_736 = tpu.memref_slice %arg6[%scan3A_149, %dma_start3A_733, %dma_start3A_734, %dma_start3A_735] : memref<4x4x50x128xf32, #tpu.memory_space<vmem>> -> memref<1x4x50x128xf32, #tpu.memory_space<vmem>>
        %dma_start3A_737 = tpu.memref_squeeze %dma_start3A_736 : memref<1x4x50x128xf32, #tpu.memory_space<vmem>> -> memref<4x50x128xf32, #tpu.memory_space<vmem>>
        %dma_start3A_738 = arith.constant 0 : i32
        %dma_start3A_739 = arith.constant 0 : i32
        %dma_start3A_740 = tpu.memref_slice %dma_start3A_737[%dma_start3A_732, %dma_start3A_738, %dma_start3A_739] : memref<4x50x128xf32, #tpu.memory_space<vmem>> -> memref<1x50x128xf32, #tpu.memory_space<vmem>>
        %dma_start3A_741 = tpu.memref_squeeze %dma_start3A_740 : memref<1x50x128xf32, #tpu.memory_space<vmem>> -> memref<50x128xf32, #tpu.memory_space<vmem>>
        %dma_start3A_742 = arith.constant 0 : i32
        %dma_start3A_743 = tpu.memref_slice %arg5[%add3A_731, %dma_start3A_742] : memref<128x50xi32, #tpu.memory_space<vmem>> -> memref<1x50xi32, #tpu.memory_space<vmem>>
        %dma_start3A_744 = tpu.memref_squeeze %dma_start3A_743 : memref<1x50xi32, #tpu.memory_space<vmem>> -> memref<50xi32, #tpu.memory_space<vmem>>
        %dma_start3A_745 = arith.constant 0 : i32
        %dma_start3A_746 = arith.constant 0 : i32
        %dma_start3A_747 = tpu.memref_slice %arg2[%dma_start3A_745, %dma_start3A_746] : memref<100000x128xf32, #tpu.memory_space<hbm>> -> memref<100000x128xf32, #tpu.memory_space<hbm>>
        tpu.enqueue_indirect_dma source(%dma_start3A_747 : memref<100000x128xf32, #tpu.memory_space<hbm>>) target(%dma_start3A_741 : memref<50x128xf32, #tpu.memory_space<vmem>>) offsets(%dma_start3A_744 : memref<50xi32, #tpu.memory_space<vmem>>) semaphore(%arg7 : memref<!tpu.dma_semaphore, #tpu.memory_space<semaphore_mem>>)
      } else {
      }
      %mul3A_440 = arith.constant 4 : i32
      %mul3A_441 = arith.muli %scan3A_222, %mul3A_440 : i32
      %add3A_442 = arith.constant 2 : i32
      %add3A_443 = arith.addi %mul3A_441, %add3A_442 : i32
      %mul3A_444 = arith.constant 4 : i32
      %mul3A_445 = arith.muli %add3A_443, %mul3A_444 : i32
      %add3A_446 = arith.constant 0 : i32
      %add3A_447 = arith.addi %mul3A_445, %add3A_446 : i32
      %dma_wait3A_448 = arith.constant 0 : i32
      %dma_wait3A_449 = arith.constant 0 : i32
      %dma_wait3A_450 = arith.constant 0 : i32
      %dma_wait3A_451 = arith.constant 0 : i32
      %dma_wait3A_452 = tpu.memref_slice %arg6[%scan3A_147, %dma_wait3A_449, %dma_wait3A_450, %dma_wait3A_451] : memref<4x4x50x128xf32, #tpu.memory_space<vmem>> -> memref<1x4x50x128xf32, #tpu.memory_space<vmem>>
      %dma_wait3A_453 = tpu.memref_squeeze %dma_wait3A_452 : memref<1x4x50x128xf32, #tpu.memory_space<vmem>> -> memref<4x50x128xf32, #tpu.memory_space<vmem>>
      %dma_wait3A_454 = arith.constant 0 : i32
      %dma_wait3A_455 = arith.constant 0 : i32
      %dma_wait3A_456 = tpu.memref_slice %dma_wait3A_453[%dma_wait3A_448, %dma_wait3A_454, %dma_wait3A_455] : memref<4x50x128xf32, #tpu.memory_space<vmem>> -> memref<1x50x128xf32, #tpu.memory_space<vmem>>
      %dma_wait3A_457 = tpu.memref_squeeze %dma_wait3A_456 : memref<1x50x128xf32, #tpu.memory_space<vmem>> -> memref<50x128xf32, #tpu.memory_space<vmem>>
      %dma_wait3A_458 = arith.constant 0 : i32
      %dma_wait3A_459 = tpu.memref_slice %arg5[%add3A_447, %dma_wait3A_458] : memref<128x50xi32, #tpu.memory_space<vmem>> -> memref<1x50xi32, #tpu.memory_space<vmem>>
      %dma_wait3A_460 = tpu.memref_squeeze %dma_wait3A_459 : memref<1x50xi32, #tpu.memory_space<vmem>> -> memref<50xi32, #tpu.memory_space<vmem>>
      %dma_wait3A_461 = arith.constant 0 : i32
      %dma_wait3A_462 = arith.constant 0 : i32
      %dma_wait3A_463 = tpu.memref_slice %arg2[%dma_wait3A_461, %dma_wait3A_462] : memref<100000x128xf32, #tpu.memory_space<hbm>> -> memref<100000x128xf32, #tpu.memory_space<hbm>>
      tpu.wait_indirect_dma semaphore(%arg7 : memref<!tpu.dma_semaphore, #tpu.memory_space<semaphore_mem>>) src(%dma_wait3A_463 : memref<100000x128xf32, #tpu.memory_space<hbm>>) dst(%dma_wait3A_457 : memref<50x128xf32, #tpu.memory_space<vmem>>)
      %mul3A_464 = arith.constant 4 : i32
      %mul3A_465 = arith.muli %add3A_443, %mul3A_464 : i32
      %add3A_466 = arith.constant 1 : i32
      %add3A_467 = arith.addi %mul3A_465, %add3A_466 : i32
      %dma_wait3A_468 = arith.constant 1 : i32
      %dma_wait3A_469 = arith.constant 0 : i32
      %dma_wait3A_470 = arith.constant 0 : i32
      %dma_wait3A_471 = arith.constant 0 : i32
      %dma_wait3A_472 = tpu.memref_slice %arg6[%scan3A_147, %dma_wait3A_469, %dma_wait3A_470, %dma_wait3A_471] : memref<4x4x50x128xf32, #tpu.memory_space<vmem>> -> memref<1x4x50x128xf32, #tpu.memory_space<vmem>>
      %dma_wait3A_473 = tpu.memref_squeeze %dma_wait3A_472 : memref<1x4x50x128xf32, #tpu.memory_space<vmem>> -> memref<4x50x128xf32, #tpu.memory_space<vmem>>
      %dma_wait3A_474 = arith.constant 0 : i32
      %dma_wait3A_475 = arith.constant 0 : i32
      %dma_wait3A_476 = tpu.memref_slice %dma_wait3A_473[%dma_wait3A_468, %dma_wait3A_474, %dma_wait3A_475] : memref<4x50x128xf32, #tpu.memory_space<vmem>> -> memref<1x50x128xf32, #tpu.memory_space<vmem>>
      %dma_wait3A_477 = tpu.memref_squeeze %dma_wait3A_476 : memref<1x50x128xf32, #tpu.memory_space<vmem>> -> memref<50x128xf32, #tpu.memory_space<vmem>>
      %dma_wait3A_478 = arith.constant 0 : i32
      %dma_wait3A_479 = tpu.memref_slice %arg5[%add3A_467, %dma_wait3A_478] : memref<128x50xi32, #tpu.memory_space<vmem>> -> memref<1x50xi32, #tpu.memory_space<vmem>>
      %dma_wait3A_480 = tpu.memref_squeeze %dma_wait3A_479 : memref<1x50xi32, #tpu.memory_space<vmem>> -> memref<50xi32, #tpu.memory_space<vmem>>
      %dma_wait3A_481 = arith.constant 0 : i32
      %dma_wait3A_482 = arith.constant 0 : i32
      %dma_wait3A_483 = tpu.memref_slice %arg2[%dma_wait3A_481, %dma_wait3A_482] : memref<100000x128xf32, #tpu.memory_space<hbm>> -> memref<100000x128xf32, #tpu.memory_space<hbm>>
      tpu.wait_indirect_dma semaphore(%arg7 : memref<!tpu.dma_semaphore, #tpu.memory_space<semaphore_mem>>) src(%dma_wait3A_483 : memref<100000x128xf32, #tpu.memory_space<hbm>>) dst(%dma_wait3A_477 : memref<50x128xf32, #tpu.memory_space<vmem>>)
      %mul3A_484 = arith.constant 4 : i32
      %mul3A_485 = arith.muli %add3A_443, %mul3A_484 : i32
      %add3A_486 = arith.constant 2 : i32
      %add3A_487 = arith.addi %mul3A_485, %add3A_486 : i32
      %dma_wait3A_488 = arith.constant 2 : i32
      %dma_wait3A_489 = arith.constant 0 : i32
      %dma_wait3A_490 = arith.constant 0 : i32
      %dma_wait3A_491 = arith.constant 0 : i32
      %dma_wait3A_492 = tpu.memref_slice %arg6[%scan3A_147, %dma_wait3A_489, %dma_wait3A_490, %dma_wait3A_491] : memref<4x4x50x128xf32, #tpu.memory_space<vmem>> -> memref<1x4x50x128xf32, #tpu.memory_space<vmem>>
      %dma_wait3A_493 = tpu.memref_squeeze %dma_wait3A_492 : memref<1x4x50x128xf32, #tpu.memory_space<vmem>> -> memref<4x50x128xf32, #tpu.memory_space<vmem>>
      %dma_wait3A_494 = arith.constant 0 : i32
      %dma_wait3A_495 = arith.constant 0 : i32
      %dma_wait3A_496 = tpu.memref_slice %dma_wait3A_493[%dma_wait3A_488, %dma_wait3A_494, %dma_wait3A_495] : memref<4x50x128xf32, #tpu.memory_space<vmem>> -> memref<1x50x128xf32, #tpu.memory_space<vmem>>
      %dma_wait3A_497 = tpu.memref_squeeze %dma_wait3A_496 : memref<1x50x128xf32, #tpu.memory_space<vmem>> -> memref<50x128xf32, #tpu.memory_space<vmem>>
      %dma_wait3A_498 = arith.constant 0 : i32
      %dma_wait3A_499 = tpu.memref_slice %arg5[%add3A_487, %dma_wait3A_498] : memref<128x50xi32, #tpu.memory_space<vmem>> -> memref<1x50xi32, #tpu.memory_space<vmem>>
      %dma_wait3A_500 = tpu.memref_squeeze %dma_wait3A_499 : memref<1x50xi32, #tpu.memory_space<vmem>> -> memref<50xi32, #tpu.memory_space<vmem>>
      %dma_wait3A_501 = arith.constant 0 : i32
      %dma_wait3A_502 = arith.constant 0 : i32
      %dma_wait3A_503 = tpu.memref_slice %arg2[%dma_wait3A_501, %dma_wait3A_502] : memref<100000x128xf32, #tpu.memory_space<hbm>> -> memref<100000x128xf32, #tpu.memory_space<hbm>>
      tpu.wait_indirect_dma semaphore(%arg7 : memref<!tpu.dma_semaphore, #tpu.memory_space<semaphore_mem>>) src(%dma_wait3A_503 : memref<100000x128xf32, #tpu.memory_space<hbm>>) dst(%dma_wait3A_497 : memref<50x128xf32, #tpu.memory_space<vmem>>)
      %mul3A_504 = arith.constant 4 : i32
      %mul3A_505 = arith.muli %add3A_443, %mul3A_504 : i32
      %add3A_506 = arith.constant 3 : i32
      %add3A_507 = arith.addi %mul3A_505, %add3A_506 : i32
      %dma_wait3A_508 = arith.constant 3 : i32
      %dma_wait3A_509 = arith.constant 0 : i32
      %dma_wait3A_510 = arith.constant 0 : i32
      %dma_wait3A_511 = arith.constant 0 : i32
      %dma_wait3A_512 = tpu.memref_slice %arg6[%scan3A_147, %dma_wait3A_509, %dma_wait3A_510, %dma_wait3A_511] : memref<4x4x50x128xf32, #tpu.memory_space<vmem>> -> memref<1x4x50x128xf32, #tpu.memory_space<vmem>>
      %dma_wait3A_513 = tpu.memref_squeeze %dma_wait3A_512 : memref<1x4x50x128xf32, #tpu.memory_space<vmem>> -> memref<4x50x128xf32, #tpu.memory_space<vmem>>
      %dma_wait3A_514 = arith.constant 0 : i32
      %dma_wait3A_515 = arith.constant 0 : i32
      %dma_wait3A_516 = tpu.memref_slice %dma_wait3A_513[%dma_wait3A_508, %dma_wait3A_514, %dma_wait3A_515] : memref<4x50x128xf32, #tpu.memory_space<vmem>> -> memref<1x50x128xf32, #tpu.memory_space<vmem>>
      %dma_wait3A_517 = tpu.memref_squeeze %dma_wait3A_516 : memref<1x50x128xf32, #tpu.memory_space<vmem>> -> memref<50x128xf32, #tpu.memory_space<vmem>>
      %dma_wait3A_518 = arith.constant 0 : i32
      %dma_wait3A_519 = tpu.memref_slice %arg5[%add3A_507, %dma_wait3A_518] : memref<128x50xi32, #tpu.memory_space<vmem>> -> memref<1x50xi32, #tpu.memory_space<vmem>>
      %dma_wait3A_520 = tpu.memref_squeeze %dma_wait3A_519 : memref<1x50xi32, #tpu.memory_space<vmem>> -> memref<50xi32, #tpu.memory_space<vmem>>
      %dma_wait3A_521 = arith.constant 0 : i32
      %dma_wait3A_522 = arith.constant 0 : i32
      %dma_wait3A_523 = tpu.memref_slice %arg2[%dma_wait3A_521, %dma_wait3A_522] : memref<100000x128xf32, #tpu.memory_space<hbm>> -> memref<100000x128xf32, #tpu.memory_space<hbm>>
      tpu.wait_indirect_dma semaphore(%arg7 : memref<!tpu.dma_semaphore, #tpu.memory_space<semaphore_mem>>) src(%dma_wait3A_523 : memref<100000x128xf32, #tpu.memory_space<hbm>>) dst(%dma_wait3A_517 : memref<50x128xf32, #tpu.memory_space<vmem>>)
      %mul3A_524 = arith.constant 4 : i32
      %mul3A_525 = arith.muli %add3A_443, %mul3A_524 : i32
      %add3A_526 = arith.addi %mul3A_2, %mul3A_525 : i32
      %dma_start3A_527 = arith.constant 0 : i32
      %dma_start3A_528 = arith.constant 0 : i32
      %dma_start3A_529 = arith.constant 0 : i32
      %dma_start3A_530 = tpu.memref_slice %arg6[%scan3A_147, %dma_start3A_527, %dma_start3A_528, %dma_start3A_529] : memref<4x4x50x128xf32, #tpu.memory_space<vmem>> -> memref<1x4x50x128xf32, #tpu.memory_space<vmem>>
      %dma_start3A_531 = tpu.memref_squeeze %dma_start3A_530 : memref<1x4x50x128xf32, #tpu.memory_space<vmem>> -> memref<4x50x128xf32, #tpu.memory_space<vmem>>
      %dma_start3A_532 = arith.constant 0 : i32
      %dma_start3A_533 = arith.constant 0 : i32
      %dma_start3A_534 = tpu.memref_slice %arg4[%add3A_526, %dma_start3A_532, %dma_start3A_533] : memref<4096x50x128xf32, #tpu.memory_space<hbm>> -> memref<4x50x128xf32, #tpu.memory_space<hbm>>
      %dma_start3A_535 = arith.constant 0 : i32
      %dma_start3A_536 = arith.constant 0 : i32
      %dma_start3A_537 = tpu.memref_slice %arg4[%add3A_526, %dma_start3A_535, %dma_start3A_536] : memref<4096x50x128xf32, #tpu.memory_space<hbm>> -> memref<4x50x128xf32, #tpu.memory_space<hbm>>
      %dma_start3A_538 = arith.constant 0 : i32
      %dma_start3A_539 = arith.constant 0 : i32
      %dma_start3A_540 = arith.constant 0 : i32
      %dma_start3A_541 = tpu.memref_slice %arg6[%scan3A_147, %dma_start3A_538, %dma_start3A_539, %dma_start3A_540] : memref<4x4x50x128xf32, #tpu.memory_space<vmem>> -> memref<1x4x50x128xf32, #tpu.memory_space<vmem>>
      %dma_start3A_542 = tpu.memref_squeeze %dma_start3A_541 : memref<1x4x50x128xf32, #tpu.memory_space<vmem>> -> memref<4x50x128xf32, #tpu.memory_space<vmem>>
      tpu.enqueue_dma source(%dma_start3A_542 : memref<4x50x128xf32, #tpu.memory_space<vmem>>) target(%dma_start3A_537 : memref<4x50x128xf32, #tpu.memory_space<hbm>>) target_semaphore(%arg8 : memref<!tpu.dma_semaphore, #tpu.memory_space<semaphore_mem>>)
      %add3A_543 = arith.constant 2 : i32
      %add3A_544 = arith.addi %add3A_443, %add3A_543 : i32
      %lt3A_545 = arith.constant 32 : i32
      %lt3A_546 = arith.cmpi slt, %add3A_544, %lt3A_545 : i32
      %convert_element_type3A_547 = arith.extui %lt3A_546 : i1 to i32
      %cond3A_548 = arith.constant 0 : i32
      %cond3A_549 = arith.cmpi ne, %convert_element_type3A_547, %cond3A_548 : i32
      scf.if %cond3A_549 {
        %add3A_660 = arith.constant 2 : i32
        %add3A_661 = arith.addi %add3A_443, %add3A_660 : i32
        %ge3A = arith.constant 4 : i32
        %ge3A_662 = arith.cmpi sge, %add3A_661, %ge3A : i32
        %convert_element_type3A_663 = arith.extui %ge3A_662 : i1 to i32
        %cond3A_664 = arith.constant 0 : i32
        %cond3A_665 = arith.cmpi ne, %convert_element_type3A_663, %cond3A_664 : i32
        scf.if %cond3A_665 {
          %mul3A_748 = arith.constant 4 : i32
          %mul3A_749 = arith.muli %add3A_443, %mul3A_748 : i32
          %add3A_750 = arith.addi %mul3A_2, %mul3A_749 : i32
          %dma_wait3A_751 = arith.constant 0 : i32
          %dma_wait3A_752 = arith.constant 0 : i32
          %dma_wait3A_753 = arith.constant 0 : i32
          %dma_wait3A_754 = tpu.memref_slice %arg6[%scan3A_146, %dma_wait3A_751, %dma_wait3A_752, %dma_wait3A_753] : memref<4x4x50x128xf32, #tpu.memory_space<vmem>> -> memref<1x4x50x128xf32, #tpu.memory_space<vmem>>
          %dma_wait3A_755 = tpu.memref_squeeze %dma_wait3A_754 : memref<1x4x50x128xf32, #tpu.memory_space<vmem>> -> memref<4x50x128xf32, #tpu.memory_space<vmem>>
          %dma_wait3A_756 = arith.constant 0 : i32
          %dma_wait3A_757 = arith.constant 0 : i32
          %dma_wait3A_758 = tpu.memref_slice %arg4[%add3A_750, %dma_wait3A_756, %dma_wait3A_757] : memref<4096x50x128xf32, #tpu.memory_space<hbm>> -> memref<4x50x128xf32, #tpu.memory_space<hbm>>
          %dma_wait3A_759 = arith.constant 0 : i32
          %dma_wait3A_760 = arith.constant 0 : i32
          %dma_wait3A_761 = tpu.memref_slice %arg4[%add3A_750, %dma_wait3A_759, %dma_wait3A_760] : memref<4096x50x128xf32, #tpu.memory_space<hbm>> -> memref<4x50x128xf32, #tpu.memory_space<hbm>>
          %dma_wait3A_762 = arith.constant 0 : i32
          %dma_wait3A_763 = arith.constant 0 : i32
          %dma_wait3A_764 = arith.constant 0 : i32
          %dma_wait3A_765 = tpu.memref_slice %arg6[%scan3A_146, %dma_wait3A_762, %dma_wait3A_763, %dma_wait3A_764] : memref<4x4x50x128xf32, #tpu.memory_space<vmem>> -> memref<1x4x50x128xf32, #tpu.memory_space<vmem>>
          %dma_wait3A_766 = tpu.memref_squeeze %dma_wait3A_765 : memref<1x4x50x128xf32, #tpu.memory_space<vmem>> -> memref<4x50x128xf32, #tpu.memory_space<vmem>>
          tpu.wait_dma2 semaphore(%arg8 : memref<!tpu.dma_semaphore, #tpu.memory_space<semaphore_mem>>) src(%dma_wait3A_766 : memref<4x50x128xf32, #tpu.memory_space<vmem>>) dst(%dma_wait3A_761 : memref<4x50x128xf32, #tpu.memory_space<hbm>>)
        } else {
        }
        %add3A_666 = arith.constant 2 : i32
        %add3A_667 = arith.addi %add3A_443, %add3A_666 : i32
        %mul3A_668 = arith.constant 4 : i32
        %mul3A_669 = arith.muli %add3A_667, %mul3A_668 : i32
        %add3A_670 = arith.constant 0 : i32
        %add3A_671 = arith.addi %mul3A_669, %add3A_670 : i32
        %dma_start3A_672 = arith.constant 0 : i32
        %dma_start3A_673 = arith.constant 0 : i32
        %dma_start3A_674 = arith.constant 0 : i32
        %dma_start3A_675 = arith.constant 0 : i32
        %dma_start3A_676 = tpu.memref_slice %arg6[%scan3A_146, %dma_start3A_673, %dma_start3A_674, %dma_start3A_675] : memref<4x4x50x128xf32, #tpu.memory_space<vmem>> -> memref<1x4x50x128xf32, #tpu.memory_space<vmem>>
        %dma_start3A_677 = tpu.memref_squeeze %dma_start3A_676 : memref<1x4x50x128xf32, #tpu.memory_space<vmem>> -> memref<4x50x128xf32, #tpu.memory_space<vmem>>
        %dma_start3A_678 = arith.constant 0 : i32
        %dma_start3A_679 = arith.constant 0 : i32
        %dma_start3A_680 = tpu.memref_slice %dma_start3A_677[%dma_start3A_672, %dma_start3A_678, %dma_start3A_679] : memref<4x50x128xf32, #tpu.memory_space<vmem>> -> memref<1x50x128xf32, #tpu.memory_space<vmem>>
        %dma_start3A_681 = tpu.memref_squeeze %dma_start3A_680 : memref<1x50x128xf32, #tpu.memory_space<vmem>> -> memref<50x128xf32, #tpu.memory_space<vmem>>
        %dma_start3A_682 = arith.constant 0 : i32
        %dma_start3A_683 = tpu.memref_slice %arg5[%add3A_671, %dma_start3A_682] : memref<128x50xi32, #tpu.memory_space<vmem>> -> memref<1x50xi32, #tpu.memory_space<vmem>>
        %dma_start3A_684 = tpu.memref_squeeze %dma_start3A_683 : memref<1x50xi32, #tpu.memory_space<vmem>> -> memref<50xi32, #tpu.memory_space<vmem>>
        %dma_start3A_685 = arith.constant 0 : i32
        %dma_start3A_686 = arith.constant 0 : i32
        %dma_start3A_687 = tpu.memref_slice %arg2[%dma_start3A_685, %dma_start3A_686] : memref<100000x128xf32, #tpu.memory_space<hbm>> -> memref<100000x128xf32, #tpu.memory_space<hbm>>
        tpu.enqueue_indirect_dma source(%dma_start3A_687 : memref<100000x128xf32, #tpu.memory_space<hbm>>) target(%dma_start3A_681 : memref<50x128xf32, #tpu.memory_space<vmem>>) offsets(%dma_start3A_684 : memref<50xi32, #tpu.memory_space<vmem>>) semaphore(%arg7 : memref<!tpu.dma_semaphore, #tpu.memory_space<semaphore_mem>>)
        %mul3A_688 = arith.constant 4 : i32
        %mul3A_689 = arith.muli %add3A_667, %mul3A_688 : i32
        %add3A_690 = arith.constant 1 : i32
        %add3A_691 = arith.addi %mul3A_689, %add3A_690 : i32
        %dma_start3A_692 = arith.constant 1 : i32
        %dma_start3A_693 = arith.constant 0 : i32
        %dma_start3A_694 = arith.constant 0 : i32
        %dma_start3A_695 = arith.constant 0 : i32
        %dma_start3A_696 = tpu.memref_slice %arg6[%scan3A_146, %dma_start3A_693, %dma_start3A_694, %dma_start3A_695] : memref<4x4x50x128xf32, #tpu.memory_space<vmem>> -> memref<1x4x50x128xf32, #tpu.memory_space<vmem>>
        %dma_start3A_697 = tpu.memref_squeeze %dma_start3A_696 : memref<1x4x50x128xf32, #tpu.memory_space<vmem>> -> memref<4x50x128xf32, #tpu.memory_space<vmem>>
        %dma_start3A_698 = arith.constant 0 : i32
        %dma_start3A_699 = arith.constant 0 : i32
        %dma_start3A_700 = tpu.memref_slice %dma_start3A_697[%dma_start3A_692, %dma_start3A_698, %dma_start3A_699] : memref<4x50x128xf32, #tpu.memory_space<vmem>> -> memref<1x50x128xf32, #tpu.memory_space<vmem>>
        %dma_start3A_701 = tpu.memref_squeeze %dma_start3A_700 : memref<1x50x128xf32, #tpu.memory_space<vmem>> -> memref<50x128xf32, #tpu.memory_space<vmem>>
        %dma_start3A_702 = arith.constant 0 : i32
        %dma_start3A_703 = tpu.memref_slice %arg5[%add3A_691, %dma_start3A_702] : memref<128x50xi32, #tpu.memory_space<vmem>> -> memref<1x50xi32, #tpu.memory_space<vmem>>
        %dma_start3A_704 = tpu.memref_squeeze %dma_start3A_703 : memref<1x50xi32, #tpu.memory_space<vmem>> -> memref<50xi32, #tpu.memory_space<vmem>>
        %dma_start3A_705 = arith.constant 0 : i32
        %dma_start3A_706 = arith.constant 0 : i32
        %dma_start3A_707 = tpu.memref_slice %arg2[%dma_start3A_705, %dma_start3A_706] : memref<100000x128xf32, #tpu.memory_space<hbm>> -> memref<100000x128xf32, #tpu.memory_space<hbm>>
        tpu.enqueue_indirect_dma source(%dma_start3A_707 : memref<100000x128xf32, #tpu.memory_space<hbm>>) target(%dma_start3A_701 : memref<50x128xf32, #tpu.memory_space<vmem>>) offsets(%dma_start3A_704 : memref<50xi32, #tpu.memory_space<vmem>>) semaphore(%arg7 : memref<!tpu.dma_semaphore, #tpu.memory_space<semaphore_mem>>)
        %mul3A_708 = arith.constant 4 : i32
        %mul3A_709 = arith.muli %add3A_667, %mul3A_708 : i32
        %add3A_710 = arith.constant 2 : i32
        %add3A_711 = arith.addi %mul3A_709, %add3A_710 : i32
        %dma_start3A_712 = arith.constant 2 : i32
        %dma_start3A_713 = arith.constant 0 : i32
        %dma_start3A_714 = arith.constant 0 : i32
        %dma_start3A_715 = arith.constant 0 : i32
        %dma_start3A_716 = tpu.memref_slice %arg6[%scan3A_146, %dma_start3A_713, %dma_start3A_714, %dma_start3A_715] : memref<4x4x50x128xf32, #tpu.memory_space<vmem>> -> memref<1x4x50x128xf32, #tpu.memory_space<vmem>>
        %dma_start3A_717 = tpu.memref_squeeze %dma_start3A_716 : memref<1x4x50x128xf32, #tpu.memory_space<vmem>> -> memref<4x50x128xf32, #tpu.memory_space<vmem>>
        %dma_start3A_718 = arith.constant 0 : i32
        %dma_start3A_719 = arith.constant 0 : i32
        %dma_start3A_720 = tpu.memref_slice %dma_start3A_717[%dma_start3A_712, %dma_start3A_718, %dma_start3A_719] : memref<4x50x128xf32, #tpu.memory_space<vmem>> -> memref<1x50x128xf32, #tpu.memory_space<vmem>>
        %dma_start3A_721 = tpu.memref_squeeze %dma_start3A_720 : memref<1x50x128xf32, #tpu.memory_space<vmem>> -> memref<50x128xf32, #tpu.memory_space<vmem>>
        %dma_start3A_722 = arith.constant 0 : i32
        %dma_start3A_723 = tpu.memref_slice %arg5[%add3A_711, %dma_start3A_722] : memref<128x50xi32, #tpu.memory_space<vmem>> -> memref<1x50xi32, #tpu.memory_space<vmem>>
        %dma_start3A_724 = tpu.memref_squeeze %dma_start3A_723 : memref<1x50xi32, #tpu.memory_space<vmem>> -> memref<50xi32, #tpu.memory_space<vmem>>
        %dma_start3A_725 = arith.constant 0 : i32
        %dma_start3A_726 = arith.constant 0 : i32
        %dma_start3A_727 = tpu.memref_slice %arg2[%dma_start3A_725, %dma_start3A_726] : memref<100000x128xf32, #tpu.memory_space<hbm>> -> memref<100000x128xf32, #tpu.memory_space<hbm>>
        tpu.enqueue_indirect_dma source(%dma_start3A_727 : memref<100000x128xf32, #tpu.memory_space<hbm>>) target(%dma_start3A_721 : memref<50x128xf32, #tpu.memory_space<vmem>>) offsets(%dma_start3A_724 : memref<50xi32, #tpu.memory_space<vmem>>) semaphore(%arg7 : memref<!tpu.dma_semaphore, #tpu.memory_space<semaphore_mem>>)
        %mul3A_728 = arith.constant 4 : i32
        %mul3A_729 = arith.muli %add3A_667, %mul3A_728 : i32
        %add3A_730 = arith.constant 3 : i32
        %add3A_731 = arith.addi %mul3A_729, %add3A_730 : i32
        %dma_start3A_732 = arith.constant 3 : i32
        %dma_start3A_733 = arith.constant 0 : i32
        %dma_start3A_734 = arith.constant 0 : i32
        %dma_start3A_735 = arith.constant 0 : i32
        %dma_start3A_736 = tpu.memref_slice %arg6[%scan3A_146, %dma_start3A_733, %dma_start3A_734, %dma_start3A_735] : memref<4x4x50x128xf32, #tpu.memory_space<vmem>> -> memref<1x4x50x128xf32, #tpu.memory_space<vmem>>
        %dma_start3A_737 = tpu.memref_squeeze %dma_start3A_736 : memref<1x4x50x128xf32, #tpu.memory_space<vmem>> -> memref<4x50x128xf32, #tpu.memory_space<vmem>>
        %dma_start3A_738 = arith.constant 0 : i32
        %dma_start3A_739 = arith.constant 0 : i32
        %dma_start3A_740 = tpu.memref_slice %dma_start3A_737[%dma_start3A_732, %dma_start3A_738, %dma_start3A_739] : memref<4x50x128xf32, #tpu.memory_space<vmem>> -> memref<1x50x128xf32, #tpu.memory_space<vmem>>
        %dma_start3A_741 = tpu.memref_squeeze %dma_start3A_740 : memref<1x50x128xf32, #tpu.memory_space<vmem>> -> memref<50x128xf32, #tpu.memory_space<vmem>>
        %dma_start3A_742 = arith.constant 0 : i32
        %dma_start3A_743 = tpu.memref_slice %arg5[%add3A_731, %dma_start3A_742] : memref<128x50xi32, #tpu.memory_space<vmem>> -> memref<1x50xi32, #tpu.memory_space<vmem>>
        %dma_start3A_744 = tpu.memref_squeeze %dma_start3A_743 : memref<1x50xi32, #tpu.memory_space<vmem>> -> memref<50xi32, #tpu.memory_space<vmem>>
        %dma_start3A_745 = arith.constant 0 : i32
        %dma_start3A_746 = arith.constant 0 : i32
        %dma_start3A_747 = tpu.memref_slice %arg2[%dma_start3A_745, %dma_start3A_746] : memref<100000x128xf32, #tpu.memory_space<hbm>> -> memref<100000x128xf32, #tpu.memory_space<hbm>>
        tpu.enqueue_indirect_dma source(%dma_start3A_747 : memref<100000x128xf32, #tpu.memory_space<hbm>>) target(%dma_start3A_741 : memref<50x128xf32, #tpu.memory_space<vmem>>) offsets(%dma_start3A_744 : memref<50xi32, #tpu.memory_space<vmem>>) semaphore(%arg7 : memref<!tpu.dma_semaphore, #tpu.memory_space<semaphore_mem>>)
      } else {
      }
      %mul3A_550 = arith.constant 4 : i32
      %mul3A_551 = arith.muli %scan3A_222, %mul3A_550 : i32
      %add3A_552 = arith.constant 3 : i32
      %add3A_553 = arith.addi %mul3A_551, %add3A_552 : i32
      %mul3A_554 = arith.constant 4 : i32
      %mul3A_555 = arith.muli %add3A_553, %mul3A_554 : i32
      %add3A_556 = arith.constant 0 : i32
      %add3A_557 = arith.addi %mul3A_555, %add3A_556 : i32
      %dma_wait3A_558 = arith.constant 0 : i32
      %dma_wait3A_559 = arith.constant 0 : i32
      %dma_wait3A_560 = arith.constant 0 : i32
      %dma_wait3A_561 = arith.constant 0 : i32
      %dma_wait3A_562 = tpu.memref_slice %arg6[%scan3A_149, %dma_wait3A_559, %dma_wait3A_560, %dma_wait3A_561] : memref<4x4x50x128xf32, #tpu.memory_space<vmem>> -> memref<1x4x50x128xf32, #tpu.memory_space<vmem>>
      %dma_wait3A_563 = tpu.memref_squeeze %dma_wait3A_562 : memref<1x4x50x128xf32, #tpu.memory_space<vmem>> -> memref<4x50x128xf32, #tpu.memory_space<vmem>>
      %dma_wait3A_564 = arith.constant 0 : i32
      %dma_wait3A_565 = arith.constant 0 : i32
      %dma_wait3A_566 = tpu.memref_slice %dma_wait3A_563[%dma_wait3A_558, %dma_wait3A_564, %dma_wait3A_565] : memref<4x50x128xf32, #tpu.memory_space<vmem>> -> memref<1x50x128xf32, #tpu.memory_space<vmem>>
      %dma_wait3A_567 = tpu.memref_squeeze %dma_wait3A_566 : memref<1x50x128xf32, #tpu.memory_space<vmem>> -> memref<50x128xf32, #tpu.memory_space<vmem>>
      %dma_wait3A_568 = arith.constant 0 : i32
      %dma_wait3A_569 = tpu.memref_slice %arg5[%add3A_557, %dma_wait3A_568] : memref<128x50xi32, #tpu.memory_space<vmem>> -> memref<1x50xi32, #tpu.memory_space<vmem>>
      %dma_wait3A_570 = tpu.memref_squeeze %dma_wait3A_569 : memref<1x50xi32, #tpu.memory_space<vmem>> -> memref<50xi32, #tpu.memory_space<vmem>>
      %dma_wait3A_571 = arith.constant 0 : i32
      %dma_wait3A_572 = arith.constant 0 : i32
      %dma_wait3A_573 = tpu.memref_slice %arg2[%dma_wait3A_571, %dma_wait3A_572] : memref<100000x128xf32, #tpu.memory_space<hbm>> -> memref<100000x128xf32, #tpu.memory_space<hbm>>
      tpu.wait_indirect_dma semaphore(%arg7 : memref<!tpu.dma_semaphore, #tpu.memory_space<semaphore_mem>>) src(%dma_wait3A_573 : memref<100000x128xf32, #tpu.memory_space<hbm>>) dst(%dma_wait3A_567 : memref<50x128xf32, #tpu.memory_space<vmem>>)
      %mul3A_574 = arith.constant 4 : i32
      %mul3A_575 = arith.muli %add3A_553, %mul3A_574 : i32
      %add3A_576 = arith.constant 1 : i32
      %add3A_577 = arith.addi %mul3A_575, %add3A_576 : i32
      %dma_wait3A_578 = arith.constant 1 : i32
      %dma_wait3A_579 = arith.constant 0 : i32
      %dma_wait3A_580 = arith.constant 0 : i32
      %dma_wait3A_581 = arith.constant 0 : i32
      %dma_wait3A_582 = tpu.memref_slice %arg6[%scan3A_149, %dma_wait3A_579, %dma_wait3A_580, %dma_wait3A_581] : memref<4x4x50x128xf32, #tpu.memory_space<vmem>> -> memref<1x4x50x128xf32, #tpu.memory_space<vmem>>
      %dma_wait3A_583 = tpu.memref_squeeze %dma_wait3A_582 : memref<1x4x50x128xf32, #tpu.memory_space<vmem>> -> memref<4x50x128xf32, #tpu.memory_space<vmem>>
      %dma_wait3A_584 = arith.constant 0 : i32
      %dma_wait3A_585 = arith.constant 0 : i32
      %dma_wait3A_586 = tpu.memref_slice %dma_wait3A_583[%dma_wait3A_578, %dma_wait3A_584, %dma_wait3A_585] : memref<4x50x128xf32, #tpu.memory_space<vmem>> -> memref<1x50x128xf32, #tpu.memory_space<vmem>>
      %dma_wait3A_587 = tpu.memref_squeeze %dma_wait3A_586 : memref<1x50x128xf32, #tpu.memory_space<vmem>> -> memref<50x128xf32, #tpu.memory_space<vmem>>
      %dma_wait3A_588 = arith.constant 0 : i32
      %dma_wait3A_589 = tpu.memref_slice %arg5[%add3A_577, %dma_wait3A_588] : memref<128x50xi32, #tpu.memory_space<vmem>> -> memref<1x50xi32, #tpu.memory_space<vmem>>
      %dma_wait3A_590 = tpu.memref_squeeze %dma_wait3A_589 : memref<1x50xi32, #tpu.memory_space<vmem>> -> memref<50xi32, #tpu.memory_space<vmem>>
      %dma_wait3A_591 = arith.constant 0 : i32
      %dma_wait3A_592 = arith.constant 0 : i32
      %dma_wait3A_593 = tpu.memref_slice %arg2[%dma_wait3A_591, %dma_wait3A_592] : memref<100000x128xf32, #tpu.memory_space<hbm>> -> memref<100000x128xf32, #tpu.memory_space<hbm>>
      tpu.wait_indirect_dma semaphore(%arg7 : memref<!tpu.dma_semaphore, #tpu.memory_space<semaphore_mem>>) src(%dma_wait3A_593 : memref<100000x128xf32, #tpu.memory_space<hbm>>) dst(%dma_wait3A_587 : memref<50x128xf32, #tpu.memory_space<vmem>>)
      %mul3A_594 = arith.constant 4 : i32
      %mul3A_595 = arith.muli %add3A_553, %mul3A_594 : i32
      %add3A_596 = arith.constant 2 : i32
      %add3A_597 = arith.addi %mul3A_595, %add3A_596 : i32
      %dma_wait3A_598 = arith.constant 2 : i32
      %dma_wait3A_599 = arith.constant 0 : i32
      %dma_wait3A_600 = arith.constant 0 : i32
      %dma_wait3A_601 = arith.constant 0 : i32
      %dma_wait3A_602 = tpu.memref_slice %arg6[%scan3A_149, %dma_wait3A_599, %dma_wait3A_600, %dma_wait3A_601] : memref<4x4x50x128xf32, #tpu.memory_space<vmem>> -> memref<1x4x50x128xf32, #tpu.memory_space<vmem>>
      %dma_wait3A_603 = tpu.memref_squeeze %dma_wait3A_602 : memref<1x4x50x128xf32, #tpu.memory_space<vmem>> -> memref<4x50x128xf32, #tpu.memory_space<vmem>>
      %dma_wait3A_604 = arith.constant 0 : i32
      %dma_wait3A_605 = arith.constant 0 : i32
      %dma_wait3A_606 = tpu.memref_slice %dma_wait3A_603[%dma_wait3A_598, %dma_wait3A_604, %dma_wait3A_605] : memref<4x50x128xf32, #tpu.memory_space<vmem>> -> memref<1x50x128xf32, #tpu.memory_space<vmem>>
      %dma_wait3A_607 = tpu.memref_squeeze %dma_wait3A_606 : memref<1x50x128xf32, #tpu.memory_space<vmem>> -> memref<50x128xf32, #tpu.memory_space<vmem>>
      %dma_wait3A_608 = arith.constant 0 : i32
      %dma_wait3A_609 = tpu.memref_slice %arg5[%add3A_597, %dma_wait3A_608] : memref<128x50xi32, #tpu.memory_space<vmem>> -> memref<1x50xi32, #tpu.memory_space<vmem>>
      %dma_wait3A_610 = tpu.memref_squeeze %dma_wait3A_609 : memref<1x50xi32, #tpu.memory_space<vmem>> -> memref<50xi32, #tpu.memory_space<vmem>>
      %dma_wait3A_611 = arith.constant 0 : i32
      %dma_wait3A_612 = arith.constant 0 : i32
      %dma_wait3A_613 = tpu.memref_slice %arg2[%dma_wait3A_611, %dma_wait3A_612] : memref<100000x128xf32, #tpu.memory_space<hbm>> -> memref<100000x128xf32, #tpu.memory_space<hbm>>
      tpu.wait_indirect_dma semaphore(%arg7 : memref<!tpu.dma_semaphore, #tpu.memory_space<semaphore_mem>>) src(%dma_wait3A_613 : memref<100000x128xf32, #tpu.memory_space<hbm>>) dst(%dma_wait3A_607 : memref<50x128xf32, #tpu.memory_space<vmem>>)
      %mul3A_614 = arith.constant 4 : i32
      %mul3A_615 = arith.muli %add3A_553, %mul3A_614 : i32
      %add3A_616 = arith.constant 3 : i32
      %add3A_617 = arith.addi %mul3A_615, %add3A_616 : i32
      %dma_wait3A_618 = arith.constant 3 : i32
      %dma_wait3A_619 = arith.constant 0 : i32
      %dma_wait3A_620 = arith.constant 0 : i32
      %dma_wait3A_621 = arith.constant 0 : i32
      %dma_wait3A_622 = tpu.memref_slice %arg6[%scan3A_149, %dma_wait3A_619, %dma_wait3A_620, %dma_wait3A_621] : memref<4x4x50x128xf32, #tpu.memory_space<vmem>> -> memref<1x4x50x128xf32, #tpu.memory_space<vmem>>
      %dma_wait3A_623 = tpu.memref_squeeze %dma_wait3A_622 : memref<1x4x50x128xf32, #tpu.memory_space<vmem>> -> memref<4x50x128xf32, #tpu.memory_space<vmem>>
      %dma_wait3A_624 = arith.constant 0 : i32
      %dma_wait3A_625 = arith.constant 0 : i32
      %dma_wait3A_626 = tpu.memref_slice %dma_wait3A_623[%dma_wait3A_618, %dma_wait3A_624, %dma_wait3A_625] : memref<4x50x128xf32, #tpu.memory_space<vmem>> -> memref<1x50x128xf32, #tpu.memory_space<vmem>>
      %dma_wait3A_627 = tpu.memref_squeeze %dma_wait3A_626 : memref<1x50x128xf32, #tpu.memory_space<vmem>> -> memref<50x128xf32, #tpu.memory_space<vmem>>
      %dma_wait3A_628 = arith.constant 0 : i32
      %dma_wait3A_629 = tpu.memref_slice %arg5[%add3A_617, %dma_wait3A_628] : memref<128x50xi32, #tpu.memory_space<vmem>> -> memref<1x50xi32, #tpu.memory_space<vmem>>
      %dma_wait3A_630 = tpu.memref_squeeze %dma_wait3A_629 : memref<1x50xi32, #tpu.memory_space<vmem>> -> memref<50xi32, #tpu.memory_space<vmem>>
      %dma_wait3A_631 = arith.constant 0 : i32
      %dma_wait3A_632 = arith.constant 0 : i32
      %dma_wait3A_633 = tpu.memref_slice %arg2[%dma_wait3A_631, %dma_wait3A_632] : memref<100000x128xf32, #tpu.memory_space<hbm>> -> memref<100000x128xf32, #tpu.memory_space<hbm>>
      tpu.wait_indirect_dma semaphore(%arg7 : memref<!tpu.dma_semaphore, #tpu.memory_space<semaphore_mem>>) src(%dma_wait3A_633 : memref<100000x128xf32, #tpu.memory_space<hbm>>) dst(%dma_wait3A_627 : memref<50x128xf32, #tpu.memory_space<vmem>>)
      %mul3A_634 = arith.constant 4 : i32
      %mul3A_635 = arith.muli %add3A_553, %mul3A_634 : i32
      %add3A_636 = arith.addi %mul3A_2, %mul3A_635 : i32
      %dma_start3A_637 = arith.constant 0 : i32
      %dma_start3A_638 = arith.constant 0 : i32
      %dma_start3A_639 = arith.constant 0 : i32
      %dma_start3A_640 = tpu.memref_slice %arg6[%scan3A_149, %dma_start3A_637, %dma_start3A_638, %dma_start3A_639] : memref<4x4x50x128xf32, #tpu.memory_space<vmem>> -> memref<1x4x50x128xf32, #tpu.memory_space<vmem>>
      %dma_start3A_641 = tpu.memref_squeeze %dma_start3A_640 : memref<1x4x50x128xf32, #tpu.memory_space<vmem>> -> memref<4x50x128xf32, #tpu.memory_space<vmem>>
      %dma_start3A_642 = arith.constant 0 : i32
      %dma_start3A_643 = arith.constant 0 : i32
      %dma_start3A_644 = tpu.memref_slice %arg4[%add3A_636, %dma_start3A_642, %dma_start3A_643] : memref<4096x50x128xf32, #tpu.memory_space<hbm>> -> memref<4x50x128xf32, #tpu.memory_space<hbm>>
      %dma_start3A_645 = arith.constant 0 : i32
      %dma_start3A_646 = arith.constant 0 : i32
      %dma_start3A_647 = tpu.memref_slice %arg4[%add3A_636, %dma_start3A_645, %dma_start3A_646] : memref<4096x50x128xf32, #tpu.memory_space<hbm>> -> memref<4x50x128xf32, #tpu.memory_space<hbm>>
      %dma_start3A_648 = arith.constant 0 : i32
      %dma_start3A_649 = arith.constant 0 : i32
      %dma_start3A_650 = arith.constant 0 : i32
      %dma_start3A_651 = tpu.memref_slice %arg6[%scan3A_149, %dma_start3A_648, %dma_start3A_649, %dma_start3A_650] : memref<4x4x50x128xf32, #tpu.memory_space<vmem>> -> memref<1x4x50x128xf32, #tpu.memory_space<vmem>>
      %dma_start3A_652 = tpu.memref_squeeze %dma_start3A_651 : memref<1x4x50x128xf32, #tpu.memory_space<vmem>> -> memref<4x50x128xf32, #tpu.memory_space<vmem>>
      tpu.enqueue_dma source(%dma_start3A_652 : memref<4x50x128xf32, #tpu.memory_space<vmem>>) target(%dma_start3A_647 : memref<4x50x128xf32, #tpu.memory_space<hbm>>) target_semaphore(%arg8 : memref<!tpu.dma_semaphore, #tpu.memory_space<semaphore_mem>>)
      %add3A_653 = arith.constant 2 : i32
      %add3A_654 = arith.addi %add3A_553, %add3A_653 : i32
      %lt3A_655 = arith.constant 32 : i32
      %lt3A_656 = arith.cmpi slt, %add3A_654, %lt3A_655 : i32
      %convert_element_type3A_657 = arith.extui %lt3A_656 : i1 to i32
      %cond3A_658 = arith.constant 0 : i32
      %cond3A_659 = arith.cmpi ne, %convert_element_type3A_657, %cond3A_658 : i32
      scf.if %cond3A_659 {
        %add3A_660 = arith.constant 2 : i32
        %add3A_661 = arith.addi %add3A_553, %add3A_660 : i32
        %ge3A = arith.constant 4 : i32
        %ge3A_662 = arith.cmpi sge, %add3A_661, %ge3A : i32
        %convert_element_type3A_663 = arith.extui %ge3A_662 : i1 to i32
        %cond3A_664 = arith.constant 0 : i32
        %cond3A_665 = arith.cmpi ne, %convert_element_type3A_663, %cond3A_664 : i32
        scf.if %cond3A_665 {
          %mul3A_748 = arith.constant 4 : i32
          %mul3A_749 = arith.muli %add3A_553, %mul3A_748 : i32
          %add3A_750 = arith.addi %mul3A_2, %mul3A_749 : i32
          %dma_wait3A_751 = arith.constant 0 : i32
          %dma_wait3A_752 = arith.constant 0 : i32
          %dma_wait3A_753 = arith.constant 0 : i32
          %dma_wait3A_754 = tpu.memref_slice %arg6[%scan3A_148, %dma_wait3A_751, %dma_wait3A_752, %dma_wait3A_753] : memref<4x4x50x128xf32, #tpu.memory_space<vmem>> -> memref<1x4x50x128xf32, #tpu.memory_space<vmem>>
          %dma_wait3A_755 = tpu.memref_squeeze %dma_wait3A_754 : memref<1x4x50x128xf32, #tpu.memory_space<vmem>> -> memref<4x50x128xf32, #tpu.memory_space<vmem>>
          %dma_wait3A_756 = arith.constant 0 : i32
          %dma_wait3A_757 = arith.constant 0 : i32
          %dma_wait3A_758 = tpu.memref_slice %arg4[%add3A_750, %dma_wait3A_756, %dma_wait3A_757] : memref<4096x50x128xf32, #tpu.memory_space<hbm>> -> memref<4x50x128xf32, #tpu.memory_space<hbm>>
          %dma_wait3A_759 = arith.constant 0 : i32
          %dma_wait3A_760 = arith.constant 0 : i32
          %dma_wait3A_761 = tpu.memref_slice %arg4[%add3A_750, %dma_wait3A_759, %dma_wait3A_760] : memref<4096x50x128xf32, #tpu.memory_space<hbm>> -> memref<4x50x128xf32, #tpu.memory_space<hbm>>
          %dma_wait3A_762 = arith.constant 0 : i32
          %dma_wait3A_763 = arith.constant 0 : i32
          %dma_wait3A_764 = arith.constant 0 : i32
          %dma_wait3A_765 = tpu.memref_slice %arg6[%scan3A_148, %dma_wait3A_762, %dma_wait3A_763, %dma_wait3A_764] : memref<4x4x50x128xf32, #tpu.memory_space<vmem>> -> memref<1x4x50x128xf32, #tpu.memory_space<vmem>>
          %dma_wait3A_766 = tpu.memref_squeeze %dma_wait3A_765 : memref<1x4x50x128xf32, #tpu.memory_space<vmem>> -> memref<4x50x128xf32, #tpu.memory_space<vmem>>
          tpu.wait_dma2 semaphore(%arg8 : memref<!tpu.dma_semaphore, #tpu.memory_space<semaphore_mem>>) src(%dma_wait3A_766 : memref<4x50x128xf32, #tpu.memory_space<vmem>>) dst(%dma_wait3A_761 : memref<4x50x128xf32, #tpu.memory_space<hbm>>)
        } else {
        }
        %add3A_666 = arith.constant 2 : i32
        %add3A_667 = arith.addi %add3A_553, %add3A_666 : i32
        %mul3A_668 = arith.constant 4 : i32
        %mul3A_669 = arith.muli %add3A_667, %mul3A_668 : i32
        %add3A_670 = arith.constant 0 : i32
        %add3A_671 = arith.addi %mul3A_669, %add3A_670 : i32
        %dma_start3A_672 = arith.constant 0 : i32
        %dma_start3A_673 = arith.constant 0 : i32
        %dma_start3A_674 = arith.constant 0 : i32
        %dma_start3A_675 = arith.constant 0 : i32
        %dma_start3A_676 = tpu.memref_slice %arg6[%scan3A_148, %dma_start3A_673, %dma_start3A_674, %dma_start3A_675] : memref<4x4x50x128xf32, #tpu.memory_space<vmem>> -> memref<1x4x50x128xf32, #tpu.memory_space<vmem>>
        %dma_start3A_677 = tpu.memref_squeeze %dma_start3A_676 : memref<1x4x50x128xf32, #tpu.memory_space<vmem>> -> memref<4x50x128xf32, #tpu.memory_space<vmem>>
        %dma_start3A_678 = arith.constant 0 : i32
        %dma_start3A_679 = arith.constant 0 : i32
        %dma_start3A_680 = tpu.memref_slice %dma_start3A_677[%dma_start3A_672, %dma_start3A_678, %dma_start3A_679] : memref<4x50x128xf32, #tpu.memory_space<vmem>> -> memref<1x50x128xf32, #tpu.memory_space<vmem>>
        %dma_start3A_681 = tpu.memref_squeeze %dma_start3A_680 : memref<1x50x128xf32, #tpu.memory_space<vmem>> -> memref<50x128xf32, #tpu.memory_space<vmem>>
        %dma_start3A_682 = arith.constant 0 : i32
        %dma_start3A_683 = tpu.memref_slice %arg5[%add3A_671, %dma_start3A_682] : memref<128x50xi32, #tpu.memory_space<vmem>> -> memref<1x50xi32, #tpu.memory_space<vmem>>
        %dma_start3A_684 = tpu.memref_squeeze %dma_start3A_683 : memref<1x50xi32, #tpu.memory_space<vmem>> -> memref<50xi32, #tpu.memory_space<vmem>>
        %dma_start3A_685 = arith.constant 0 : i32
        %dma_start3A_686 = arith.constant 0 : i32
        %dma_start3A_687 = tpu.memref_slice %arg2[%dma_start3A_685, %dma_start3A_686] : memref<100000x128xf32, #tpu.memory_space<hbm>> -> memref<100000x128xf32, #tpu.memory_space<hbm>>
        tpu.enqueue_indirect_dma source(%dma_start3A_687 : memref<100000x128xf32, #tpu.memory_space<hbm>>) target(%dma_start3A_681 : memref<50x128xf32, #tpu.memory_space<vmem>>) offsets(%dma_start3A_684 : memref<50xi32, #tpu.memory_space<vmem>>) semaphore(%arg7 : memref<!tpu.dma_semaphore, #tpu.memory_space<semaphore_mem>>)
        %mul3A_688 = arith.constant 4 : i32
        %mul3A_689 = arith.muli %add3A_667, %mul3A_688 : i32
        %add3A_690 = arith.constant 1 : i32
        %add3A_691 = arith.addi %mul3A_689, %add3A_690 : i32
        %dma_start3A_692 = arith.constant 1 : i32
        %dma_start3A_693 = arith.constant 0 : i32
        %dma_start3A_694 = arith.constant 0 : i32
        %dma_start3A_695 = arith.constant 0 : i32
        %dma_start3A_696 = tpu.memref_slice %arg6[%scan3A_148, %dma_start3A_693, %dma_start3A_694, %dma_start3A_695] : memref<4x4x50x128xf32, #tpu.memory_space<vmem>> -> memref<1x4x50x128xf32, #tpu.memory_space<vmem>>
        %dma_start3A_697 = tpu.memref_squeeze %dma_start3A_696 : memref<1x4x50x128xf32, #tpu.memory_space<vmem>> -> memref<4x50x128xf32, #tpu.memory_space<vmem>>
        %dma_start3A_698 = arith.constant 0 : i32
        %dma_start3A_699 = arith.constant 0 : i32
        %dma_start3A_700 = tpu.memref_slice %dma_start3A_697[%dma_start3A_692, %dma_start3A_698, %dma_start3A_699] : memref<4x50x128xf32, #tpu.memory_space<vmem>> -> memref<1x50x128xf32, #tpu.memory_space<vmem>>
        %dma_start3A_701 = tpu.memref_squeeze %dma_start3A_700 : memref<1x50x128xf32, #tpu.memory_space<vmem>> -> memref<50x128xf32, #tpu.memory_space<vmem>>
        %dma_start3A_702 = arith.constant 0 : i32
        %dma_start3A_703 = tpu.memref_slice %arg5[%add3A_691, %dma_start3A_702] : memref<128x50xi32, #tpu.memory_space<vmem>> -> memref<1x50xi32, #tpu.memory_space<vmem>>
        %dma_start3A_704 = tpu.memref_squeeze %dma_start3A_703 : memref<1x50xi32, #tpu.memory_space<vmem>> -> memref<50xi32, #tpu.memory_space<vmem>>
        %dma_start3A_705 = arith.constant 0 : i32
        %dma_start3A_706 = arith.constant 0 : i32
        %dma_start3A_707 = tpu.memref_slice %arg2[%dma_start3A_705, %dma_start3A_706] : memref<100000x128xf32, #tpu.memory_space<hbm>> -> memref<100000x128xf32, #tpu.memory_space<hbm>>
        tpu.enqueue_indirect_dma source(%dma_start3A_707 : memref<100000x128xf32, #tpu.memory_space<hbm>>) target(%dma_start3A_701 : memref<50x128xf32, #tpu.memory_space<vmem>>) offsets(%dma_start3A_704 : memref<50xi32, #tpu.memory_space<vmem>>) semaphore(%arg7 : memref<!tpu.dma_semaphore, #tpu.memory_space<semaphore_mem>>)
        %mul3A_708 = arith.constant 4 : i32
        %mul3A_709 = arith.muli %add3A_667, %mul3A_708 : i32
        %add3A_710 = arith.constant 2 : i32
        %add3A_711 = arith.addi %mul3A_709, %add3A_710 : i32
        %dma_start3A_712 = arith.constant 2 : i32
        %dma_start3A_713 = arith.constant 0 : i32
        %dma_start3A_714 = arith.constant 0 : i32
        %dma_start3A_715 = arith.constant 0 : i32
        %dma_start3A_716 = tpu.memref_slice %arg6[%scan3A_148, %dma_start3A_713, %dma_start3A_714, %dma_start3A_715] : memref<4x4x50x128xf32, #tpu.memory_space<vmem>> -> memref<1x4x50x128xf32, #tpu.memory_space<vmem>>
        %dma_start3A_717 = tpu.memref_squeeze %dma_start3A_716 : memref<1x4x50x128xf32, #tpu.memory_space<vmem>> -> memref<4x50x128xf32, #tpu.memory_space<vmem>>
        %dma_start3A_718 = arith.constant 0 : i32
        %dma_start3A_719 = arith.constant 0 : i32
        %dma_start3A_720 = tpu.memref_slice %dma_start3A_717[%dma_start3A_712, %dma_start3A_718, %dma_start3A_719] : memref<4x50x128xf32, #tpu.memory_space<vmem>> -> memref<1x50x128xf32, #tpu.memory_space<vmem>>
        %dma_start3A_721 = tpu.memref_squeeze %dma_start3A_720 : memref<1x50x128xf32, #tpu.memory_space<vmem>> -> memref<50x128xf32, #tpu.memory_space<vmem>>
        %dma_start3A_722 = arith.constant 0 : i32
        %dma_start3A_723 = tpu.memref_slice %arg5[%add3A_711, %dma_start3A_722] : memref<128x50xi32, #tpu.memory_space<vmem>> -> memref<1x50xi32, #tpu.memory_space<vmem>>
        %dma_start3A_724 = tpu.memref_squeeze %dma_start3A_723 : memref<1x50xi32, #tpu.memory_space<vmem>> -> memref<50xi32, #tpu.memory_space<vmem>>
        %dma_start3A_725 = arith.constant 0 : i32
        %dma_start3A_726 = arith.constant 0 : i32
        %dma_start3A_727 = tpu.memref_slice %arg2[%dma_start3A_725, %dma_start3A_726] : memref<100000x128xf32, #tpu.memory_space<hbm>> -> memref<100000x128xf32, #tpu.memory_space<hbm>>
        tpu.enqueue_indirect_dma source(%dma_start3A_727 : memref<100000x128xf32, #tpu.memory_space<hbm>>) target(%dma_start3A_721 : memref<50x128xf32, #tpu.memory_space<vmem>>) offsets(%dma_start3A_724 : memref<50xi32, #tpu.memory_space<vmem>>) semaphore(%arg7 : memref<!tpu.dma_semaphore, #tpu.memory_space<semaphore_mem>>)
        %mul3A_728 = arith.constant 4 : i32
        %mul3A_729 = arith.muli %add3A_667, %mul3A_728 : i32
        %add3A_730 = arith.constant 3 : i32
        %add3A_731 = arith.addi %mul3A_729, %add3A_730 : i32
        %dma_start3A_732 = arith.constant 3 : i32
        %dma_start3A_733 = arith.constant 0 : i32
        %dma_start3A_734 = arith.constant 0 : i32
        %dma_start3A_735 = arith.constant 0 : i32
        %dma_start3A_736 = tpu.memref_slice %arg6[%scan3A_148, %dma_start3A_733, %dma_start3A_734, %dma_start3A_735] : memref<4x4x50x128xf32, #tpu.memory_space<vmem>> -> memref<1x4x50x128xf32, #tpu.memory_space<vmem>>
        %dma_start3A_737 = tpu.memref_squeeze %dma_start3A_736 : memref<1x4x50x128xf32, #tpu.memory_space<vmem>> -> memref<4x50x128xf32, #tpu.memory_space<vmem>>
        %dma_start3A_738 = arith.constant 0 : i32
        %dma_start3A_739 = arith.constant 0 : i32
        %dma_start3A_740 = tpu.memref_slice %dma_start3A_737[%dma_start3A_732, %dma_start3A_738, %dma_start3A_739] : memref<4x50x128xf32, #tpu.memory_space<vmem>> -> memref<1x50x128xf32, #tpu.memory_space<vmem>>
        %dma_start3A_741 = tpu.memref_squeeze %dma_start3A_740 : memref<1x50x128xf32, #tpu.memory_space<vmem>> -> memref<50x128xf32, #tpu.memory_space<vmem>>
        %dma_start3A_742 = arith.constant 0 : i32
        %dma_start3A_743 = tpu.memref_slice %arg5[%add3A_731, %dma_start3A_742] : memref<128x50xi32, #tpu.memory_space<vmem>> -> memref<1x50xi32, #tpu.memory_space<vmem>>
        %dma_start3A_744 = tpu.memref_squeeze %dma_start3A_743 : memref<1x50xi32, #tpu.memory_space<vmem>> -> memref<50xi32, #tpu.memory_space<vmem>>
        %dma_start3A_745 = arith.constant 0 : i32
        %dma_start3A_746 = arith.constant 0 : i32
        %dma_start3A_747 = tpu.memref_slice %arg2[%dma_start3A_745, %dma_start3A_746] : memref<100000x128xf32, #tpu.memory_space<hbm>> -> memref<100000x128xf32, #tpu.memory_space<hbm>>
        tpu.enqueue_indirect_dma source(%dma_start3A_747 : memref<100000x128xf32, #tpu.memory_space<hbm>>) target(%dma_start3A_741 : memref<50x128xf32, #tpu.memory_space<vmem>>) offsets(%dma_start3A_744 : memref<50xi32, #tpu.memory_space<vmem>>) semaphore(%arg7 : memref<!tpu.dma_semaphore, #tpu.memory_space<semaphore_mem>>)
      } else {
      }
    }
    %scan3A_154 = arith.constant 8 : i32
    %dma_wait3A = arith.constant 0 : i32
    %dma_wait3A_155 = arith.constant 0 : i32
    %dma_wait3A_156 = arith.constant 0 : i32
    %dma_wait3A_157 = arith.constant 0 : i32
    %dma_wait3A_158 = tpu.memref_slice %arg6[%dma_wait3A, %dma_wait3A_155, %dma_wait3A_156, %dma_wait3A_157] : memref<4x4x50x128xf32, #tpu.memory_space<vmem>> -> memref<1x4x50x128xf32, #tpu.memory_space<vmem>>
    %dma_wait3A_159 = tpu.memref_squeeze %dma_wait3A_158 : memref<1x4x50x128xf32, #tpu.memory_space<vmem>> -> memref<4x50x128xf32, #tpu.memory_space<vmem>>
    %dma_wait3A_160 = arith.constant 0 : i32
    %dma_wait3A_161 = arith.constant 0 : i32
    %dma_wait3A_162 = tpu.memref_slice %arg4[%mul3A_2, %dma_wait3A_160, %dma_wait3A_161] : memref<4096x50x128xf32, #tpu.memory_space<hbm>> -> memref<4x50x128xf32, #tpu.memory_space<hbm>>
    %dma_wait3A_163 = arith.constant 0 : i32
    %dma_wait3A_164 = arith.constant 0 : i32
    %dma_wait3A_165 = tpu.memref_slice %arg4[%mul3A_2, %dma_wait3A_163, %dma_wait3A_164] : memref<4096x50x128xf32, #tpu.memory_space<hbm>> -> memref<4x50x128xf32, #tpu.memory_space<hbm>>
    %dma_wait3A_166 = arith.constant 0 : i32
    %dma_wait3A_167 = arith.constant 0 : i32
    %dma_wait3A_168 = arith.constant 0 : i32
    %dma_wait3A_169 = tpu.memref_slice %arg6[%dma_wait3A, %dma_wait3A_166, %dma_wait3A_167, %dma_wait3A_168] : memref<4x4x50x128xf32, #tpu.memory_space<vmem>> -> memref<1x4x50x128xf32, #tpu.memory_space<vmem>>
    %dma_wait3A_170 = tpu.memref_squeeze %dma_wait3A_169 : memref<1x4x50x128xf32, #tpu.memory_space<vmem>> -> memref<4x50x128xf32, #tpu.memory_space<vmem>>
    tpu.wait_dma2 semaphore(%arg8 : memref<!tpu.dma_semaphore, #tpu.memory_space<semaphore_mem>>) src(%dma_wait3A_170 : memref<4x50x128xf32, #tpu.memory_space<vmem>>) dst(%dma_wait3A_165 : memref<4x50x128xf32, #tpu.memory_space<hbm>>)
    %dma_wait3A_171 = arith.constant 1 : i32
    %dma_wait3A_172 = arith.constant 0 : i32
    %dma_wait3A_173 = arith.constant 0 : i32
    %dma_wait3A_174 = arith.constant 0 : i32
    %dma_wait3A_175 = tpu.memref_slice %arg6[%dma_wait3A_171, %dma_wait3A_172, %dma_wait3A_173, %dma_wait3A_174] : memref<4x4x50x128xf32, #tpu.memory_space<vmem>> -> memref<1x4x50x128xf32, #tpu.memory_space<vmem>>
    %dma_wait3A_176 = tpu.memref_squeeze %dma_wait3A_175 : memref<1x4x50x128xf32, #tpu.memory_space<vmem>> -> memref<4x50x128xf32, #tpu.memory_space<vmem>>
    %dma_wait3A_177 = arith.constant 0 : i32
    %dma_wait3A_178 = arith.constant 0 : i32
    %dma_wait3A_179 = tpu.memref_slice %arg4[%mul3A_2, %dma_wait3A_177, %dma_wait3A_178] : memref<4096x50x128xf32, #tpu.memory_space<hbm>> -> memref<4x50x128xf32, #tpu.memory_space<hbm>>
    %dma_wait3A_180 = arith.constant 0 : i32
    %dma_wait3A_181 = arith.constant 0 : i32
    %dma_wait3A_182 = tpu.memref_slice %arg4[%mul3A_2, %dma_wait3A_180, %dma_wait3A_181] : memref<4096x50x128xf32, #tpu.memory_space<hbm>> -> memref<4x50x128xf32, #tpu.memory_space<hbm>>
    %dma_wait3A_183 = arith.constant 0 : i32
    %dma_wait3A_184 = arith.constant 0 : i32
    %dma_wait3A_185 = arith.constant 0 : i32
    %dma_wait3A_186 = tpu.memref_slice %arg6[%dma_wait3A_171, %dma_wait3A_183, %dma_wait3A_184, %dma_wait3A_185] : memref<4x4x50x128xf32, #tpu.memory_space<vmem>> -> memref<1x4x50x128xf32, #tpu.memory_space<vmem>>
    %dma_wait3A_187 = tpu.memref_squeeze %dma_wait3A_186 : memref<1x4x50x128xf32, #tpu.memory_space<vmem>> -> memref<4x50x128xf32, #tpu.memory_space<vmem>>
    tpu.wait_dma2 semaphore(%arg8 : memref<!tpu.dma_semaphore, #tpu.memory_space<semaphore_mem>>) src(%dma_wait3A_187 : memref<4x50x128xf32, #tpu.memory_space<vmem>>) dst(%dma_wait3A_182 : memref<4x50x128xf32, #tpu.memory_space<hbm>>)
    %dma_wait3A_188 = arith.constant 2 : i32
    %dma_wait3A_189 = arith.constant 0 : i32
    %dma_wait3A_190 = arith.constant 0 : i32
    %dma_wait3A_191 = arith.constant 0 : i32
    %dma_wait3A_192 = tpu.memref_slice %arg6[%dma_wait3A_188, %dma_wait3A_189, %dma_wait3A_190, %dma_wait3A_191] : memref<4x4x50x128xf32, #tpu.memory_space<vmem>> -> memref<1x4x50x128xf32, #tpu.memory_space<vmem>>
    %dma_wait3A_193 = tpu.memref_squeeze %dma_wait3A_192 : memref<1x4x50x128xf32, #tpu.memory_space<vmem>> -> memref<4x50x128xf32, #tpu.memory_space<vmem>>
    %dma_wait3A_194 = arith.constant 0 : i32
    %dma_wait3A_195 = arith.constant 0 : i32
    %dma_wait3A_196 = tpu.memref_slice %arg4[%mul3A_2, %dma_wait3A_194, %dma_wait3A_195] : memref<4096x50x128xf32, #tpu.memory_space<hbm>> -> memref<4x50x128xf32, #tpu.memory_space<hbm>>
    %dma_wait3A_197 = arith.constant 0 : i32
    %dma_wait3A_198 = arith.constant 0 : i32
    %dma_wait3A_199 = tpu.memref_slice %arg4[%mul3A_2, %dma_wait3A_197, %dma_wait3A_198] : memref<4096x50x128xf32, #tpu.memory_space<hbm>> -> memref<4x50x128xf32, #tpu.memory_space<hbm>>
    %dma_wait3A_200 = arith.constant 0 : i32
    %dma_wait3A_201 = arith.constant 0 : i32
    %dma_wait3A_202 = arith.constant 0 : i32
    %dma_wait3A_203 = tpu.memref_slice %arg6[%dma_wait3A_188, %dma_wait3A_200, %dma_wait3A_201, %dma_wait3A_202] : memref<4x4x50x128xf32, #tpu.memory_space<vmem>> -> memref<1x4x50x128xf32, #tpu.memory_space<vmem>>
    %dma_wait3A_204 = tpu.memref_squeeze %dma_wait3A_203 : memref<1x4x50x128xf32, #tpu.memory_space<vmem>> -> memref<4x50x128xf32, #tpu.memory_space<vmem>>
    tpu.wait_dma2 semaphore(%arg8 : memref<!tpu.dma_semaphore, #tpu.memory_space<semaphore_mem>>) src(%dma_wait3A_204 : memref<4x50x128xf32, #tpu.memory_space<vmem>>) dst(%dma_wait3A_199 : memref<4x50x128xf32, #tpu.memory_space<hbm>>)
    %dma_wait3A_205 = arith.constant 3 : i32
    %dma_wait3A_206 = arith.constant 0 : i32
    %dma_wait3A_207 = arith.constant 0 : i32
    %dma_wait3A_208 = arith.constant 0 : i32
    %dma_wait3A_209 = tpu.memref_slice %arg6[%dma_wait3A_205, %dma_wait3A_206, %dma_wait3A_207, %dma_wait3A_208] : memref<4x4x50x128xf32, #tpu.memory_space<vmem>> -> memref<1x4x50x128xf32, #tpu.memory_space<vmem>>
    %dma_wait3A_210 = tpu.memref_squeeze %dma_wait3A_209 : memref<1x4x50x128xf32, #tpu.memory_space<vmem>> -> memref<4x50x128xf32, #tpu.memory_space<vmem>>
    %dma_wait3A_211 = arith.constant 0 : i32
    %dma_wait3A_212 = arith.constant 0 : i32
    %dma_wait3A_213 = tpu.memref_slice %arg4[%mul3A_2, %dma_wait3A_211, %dma_wait3A_212] : memref<4096x50x128xf32, #tpu.memory_space<hbm>> -> memref<4x50x128xf32, #tpu.memory_space<hbm>>
    %dma_wait3A_214 = arith.constant 0 : i32
    %dma_wait3A_215 = arith.constant 0 : i32
    %dma_wait3A_216 = tpu.memref_slice %arg4[%mul3A_2, %dma_wait3A_214, %dma_wait3A_215] : memref<4096x50x128xf32, #tpu.memory_space<hbm>> -> memref<4x50x128xf32, #tpu.memory_space<hbm>>
    %dma_wait3A_217 = arith.constant 0 : i32
    %dma_wait3A_218 = arith.constant 0 : i32
    %dma_wait3A_219 = arith.constant 0 : i32
    %dma_wait3A_220 = tpu.memref_slice %arg6[%dma_wait3A_205, %dma_wait3A_217, %dma_wait3A_218, %dma_wait3A_219] : memref<4x4x50x128xf32, #tpu.memory_space<vmem>> -> memref<1x4x50x128xf32, #tpu.memory_space<vmem>>
    %dma_wait3A_221 = tpu.memref_squeeze %dma_wait3A_220 : memref<1x4x50x128xf32, #tpu.memory_space<vmem>> -> memref<4x50x128xf32, #tpu.memory_space<vmem>>
    tpu.wait_dma2 semaphore(%arg8 : memref<!tpu.dma_semaphore, #tpu.memory_space<semaphore_mem>>) src(%dma_wait3A_221 : memref<4x50x128xf32, #tpu.memory_space<vmem>>) dst(%dma_wait3A_216 : memref<4x50x128xf32, #tpu.memory_space<hbm>>)
    return
  }
}

</mosaic_0001>

<sc_bundles>
// kernel: kernel.3.cloned.1.call-start
scs
__scs_entry_jumppad:
0x0: {  	(pc) =	sbr.rel $0x88, $3  }
0x1: {  	(tag) =	ssettag $0x0;
	lr =	simm.s32 $0x1  }
0x2: {  	[smem:$0x3F9F] =	sst lr;
	_ =	strace $0xD0000000  }
0x3: {  	_ = 	snop  }
0x4: {  	_ = 	snop  }
0x5: {  	_ = 	snop  }
0x6: {  	_ = 	snop  }
0x7: {  	_ = 	snop  }
__scs_overlays_trampoline_lowered:
0x8: {  	[smem:$0x3FAE] =	sst s0  }
0x9: {  	[smem:$0x3FAF] =	sst s1  }
0xa: {  	[smem:$0x3FB0] =	sst s2  }
0xb: {  	[smem:$0x3FB1] =	sst s3  }
0xc: {  	[smem:$0x3FB2] =	sst s4  }
0xd: {  	[smem:$0x3FB3] =	sst s5  }
0xe: {  	[smem:$0x3FB4] =	sst s6  }
0xf: {  	[smem:$0x3FB5] =	sst s7  }
0x10: {  	[smem:$0x3FB6] =	sst s8  }
0x11: {  	[smem:$0x3FB7] =	sst s9;
	s0 =	simm.s32 @!p0 $0x0  }
0x12: {  	s1 =	sld [smem:$0x3F9D];
	s0 =	simm.s32 @p0 $0x1  }
0x13: {  	[smem:$0x3FB8] =	sst s0;
	s0 =	simm.s32 @!p1 $0x0  }
0x14: {  	s2 =	sld [smem:$0x3F9C];
	s0 =	simm.s32 @p1 $0x1  }
0x15: {  	[smem:$0x3FB9] =	sst s0;
	s0 =	simm.s32 @!p2 $0x0  }
0x16: {  	s3 =	sld [smem:$0x3FDB];
	s0 =	simm.s32 @p2 $0x1  }
0x17: {  	s4 =	simm.s32 $0x1BF5;
	[smem:$0x3FBB] =	sst s0  }
0x18: {  	s0 =	sld [smem:$0x3F9E];
	_ =	swait.ge [sflag:s4], $0x0  }
0x19: {  	s7 =	sld [smem:$0x3F9F]  }
0x1a: {  	s8 =	sadd.s32 $0xFFFFE003, lr  }
0x1b: {  	s9 =	sadd.s32 $0xFFFFFEF7, lr;
	s5 =	simm.s32 $0xFFFFFFFF;
	p2 =	slt.u32 s8, $0xFFFFF086  }
0x1c: {  	p1 =	slt.u32 s9, $0xF7A;
	s5 =	simm.s32 @!p2 $0x0  }
0x1d: {  	s5 =	simm.s32 @p1 $0x1;
	p0 =	seq.s32 s7, s2  }
0x1e: {  	s7 =	smul.u32 @!p0 $0xF7A, s2;
	p2 =	seq.s32 @!p0 s5, $0x0  }
0x1f: {  	s9 =	smul.u32 $0xF7A, s1;
	s8 =	simm.s32 @!p0 $0x1BF5;
	p2 =	por !p2, p0  }
0x20: {  	[sflag:s8] =	ssyncset.s32 @!p0 $0xFFFFF086;
	s6 =	sadd.s32 @!p0 s3, s7;
	s7 =	simm.s32 @!p0 $0x108  }
0x21: {  	s3 =	sadd.s32 s3, s9;
	s6 =	sadd.s32 @!p0 $0x88, s6;
	s7 =	simm.s32 @p2 $0x1082  }
0x22: {  	[simem:s7], [sflag:s8] =	dma.local @!p0 [hbm:s6], $0xF7A  }
0x23: {  	s9 =	sor.u32 $0xD0000000, s2;
	s6 =	simm.s32 $0x108;
	_ =	swait.ge @!p0 [sflag:s8], $0x0  }
0x24: {  	s3 =	sadd.s32 $0x88, s3;
	s6 =	simm.s32 @!p1 $0x1082;
	[sflag:s4] =	ssyncset.s32 $0xFFFFF086  }
0x25: {  	[simem:s6], [sflag:s4] =	dma.local [hbm:s3], $0xF7A  }
0x26: {  	[smem:$0x3F9F] =	sst s1;
	(tag) =	ssettag s2;
	_ =	strace s9  }
0x27: {  	s1 =	sld [smem:$0x3FAF]  }
0x28: {  	s2 =	sld [smem:$0x3FB0]  }
0x29: {  	s4 =	sld [smem:$0x3FB2]  }
0x2a: {  	p0 =	seq.s32 s5, $0x0;
	s5 =	sld [smem:$0x3FB3]  }
0x2b: {  	s6 =	sld [smem:$0x3FB4]  }
0x2c: {  	s7 =	sld [smem:$0x3FB5]  }
0x2d: {  	s3 =	simm.s32 $0x108;
	s8 =	sld [smem:$0x3FB6]  }
0x2e: {  	s3 =	simm.s32 @!p0 $0x1082;
	s9 =	sld [smem:$0x3FB7]  }
0x2f: {  	lr =	sadd.s32 s0, s3;
	s0 =	sld [smem:$0x3FAE]  }
0x30: {  	s3 =	sld [smem:$0x3FB1]  }
0x31: {  	[smem:$0x3FBA] =	sst s10  }
0x32: {  	s10 =	sld [smem:$0x3FB8];
	_ =	sdelay $0x3  }
0x33: {  	p0 =	seq.s32 s10, $0x1;
	s10 =	sld [smem:$0x3FBA];
	_ =	sdelay $0x3  }
0x34: {  	[smem:$0x3FBA] =	sst s10  }
0x35: {  	s10 =	sld [smem:$0x3FB9];
	_ =	sdelay $0x3  }
0x36: {  	p1 =	seq.s32 s10, $0x1;
	s10 =	sld [smem:$0x3FBA];
	_ =	sdelay $0x3  }
0x37: {  	[smem:$0x3FBA] =	sst s10  }
0x38: {  	s10 =	sld [smem:$0x3FBB]  }
0x39: {  	_ = 	snop;
	(pc) =	sbr.ind lr, $3  }
0x3a: {  	_ = 	snop  }
0x3b: {  	_ = 	snop  }
0x3c: {  	p2 =	seq.s32 s10, $0x1;
	s10 =	sld [smem:$0x3FBA]  }
0x3d: {  	_ =	shalt  }
0x3e: {  	_ =	shalt  }
0x3f: {  	_ =	shalt  }
0x40: {  	_ =	shalt  }
0x41: {  	_ =	shalt  }
0x42: {  	_ =	shalt  }
0x43: {  	_ =	shalt  }
0x44: {  	_ =	shalt  }
0x45: {  	_ =	shalt  }
0x46: {  	_ =	shalt  }
0x47: {  	_ =	shalt  }
0x48: {  	_ =	shalt  }
0x49: {  	_ =	shalt  }
0x4a: {  	_ =	shalt  }
0x4b: {  	_ =	shalt  }
0x4c: {  	_ =	shalt  }
0x4d: {  	_ =	shalt  }
0x4e: {  	_ =	shalt  }
0x4f: {  	_ =	shalt  }
0x50: {  	_ =	shalt  }
0x51: {  	_ =	shalt  }
0x52: {  	_ =	shalt  }
0x53: {  	_ =	shalt  }
0x54: {  	_ =	shalt  }
0x55: {  	_ =	shalt  }
0x56: {  	_ =	shalt  }
0x57: {  	_ =	shalt  }
0x58: {  	_ =	shalt  }
0x59: {  	_ =	shalt  }
0x5a: {  	_ =	shalt  }
0x5b: {  	_ =	shalt  }
0x5c: {  	_ =	shalt  }
0x5d: {  	_ =	shalt  }
0x5e: {  	_ =	shalt  }
0x5f: {  	_ =	shalt  }
0x60: {  	_ =	shalt  }
0x61: {  	_ =	shalt  }
0x62: {  	_ =	shalt  }
0x63: {  	_ =	shalt  }
0x64: {  	_ =	shalt  }
0x65: {  	_ =	shalt  }
0x66: {  	_ =	shalt  }
0x67: {  	_ =	shalt  }
0x68: {  	_ =	shalt  }
0x69: {  	_ =	shalt  }
0x6a: {  	_ =	shalt  }
0x6b: {  	_ =	shalt  }
0x6c: {  	_ =	shalt  }
0x6d: {  	_ =	shalt  }
0x6e: {  	_ =	shalt  }
0x6f: {  	_ =	shalt  }
0x70: {  	_ =	shalt  }
0x71: {  	_ =	shalt  }
0x72: {  	_ =	shalt  }
0x73: {  	_ =	shalt  }
0x74: {  	_ =	shalt  }
0x75: {  	_ =	shalt  }
0x76: {  	_ =	shalt  }
0x77: {  	_ =	shalt  }
0x78: {  	_ =	shalt  }
0x79: {  	_ =	shalt  }
0x7a: {  	_ =	shalt  }
0x7b: {  	_ =	shalt  }
0x7c: {  	_ =	shalt  }
0x7d: {  	_ =	shalt  }
0x7e: {  	_ =	shalt  }
0x7f: {  	_ =	shalt  }
0x80: {  	_ =	shalt  }
0x81: {  	_ =	shalt  }
0x82: {  	_ =	shalt  }
0x83: {  	_ =	shalt  }
0x84: {  	_ =	shalt  }
0x85: {  	_ =	shalt  }
0x86: {  	_ =	shalt  }
0x87: {  	_ =	shalt  }
.Lfunc_end0:
.L_simem_size_0:
called_computation_lowered:
.L_overlay_start_0:
0x88: {  	s2 =	sld [smem:$0x3FD9]  }
0x89: {  	s3 =	sld [smem:$0x3FFE];
	_ =	sdelay $0x1  }
0x8a: {  	s1 =	srdreg.scid  }
0x8b: {  	s0 =	sand.u32 $0x1, s1  }
0x8c: {  	s17 =	sshll.u32 s0, $0xA;
	s2 =	sadd.s32 s3, s2  }
0x8d: {  	s2 =	sadd.s32 s2, s17  }
0x8e: {  	[smem:$0x3FC6] =	sst s2  }
0x8f: {  	_ = 	snop  }
0x90: {  	s2 =	sld [smem:$0x3FC9]  }
0x91: {  	s18 =	sld [smem:$0x3FD0];
	(tm) =	ssettm $0x1  }
0x92: {  	s4 =	sld [smem:$0x3FFB];
	_ =	sdelay $0x3  }
0x93: {  	_ =	strace s4  }
0x94: {  	s4 =	sld [smem:$0x3FFC];
	_ =	sdelay $0x3  }
0x95: {  	_ =	strace s4  }
0x96: {  	s4 =	sld [smem:$0x3FFD];
	_ =	sdelay $0x3  }
0x97: {  	_ =	strace s4  }
0x98: {  	_ =	strace $0x8FFFFFFF  }
0x99: {  	s19 =	sld [smem:$0x3FDB];
	_ =	sdelay $0x1  }
0x9a: {  	s5 =	simm.s32 $_scs_section_size  }
0x9b: {  	s6 =	simm.s32 $_size__tile_overlayer_lowered;
	s7 =	simm.s32 $_tile_overlayer_lowered  }
0x9c: {  	s22 =	simm.s32 $0x1BFF;
	s21 =	sshll.u32 s7, $0x1;
	s4 =	sadd.s32 s5, s19  }
0x9d: {  	s8 =	simm.s32 $0x0;
	s20 =	sshll.u32 s6, $0x1;
	s6 =	sadd.s32 s21, s4  }
0x9e: {  	[timem:s8], [sflag:s22] =	dma.local [hbm:s6], s20  }
0x9f: {  	_ =	swait.ge [sflag:s22], s20  }
0xa0: {  	s5 =	ssub.s32 $0x0, s20;
	[sflag:s22] =	ssyncset.done $0x0  }
0xa1: {  	[sflag:s22] =	ssyncadd.s32 s5;
	_ =	sdelay $0x1  }
0xa2: {  	s23 =	simm.s32 $0x1B8B  }
0xa3: {  	_ =	swait.ge [sflag:s23], $0x1  }
0xa4: {  	[sflag:s23] =	ssyncset.done $0x0  }
0xa5: {  	s25 =	simm.s32 $0x1B8E;
	s24 =	sld [smem:$0x3FFE];
	[sflag:s23] =	ssyncadd.s32 $0xFFFFFFFF  }
0xa6: {  	s26 =	simm.s32 $execute0_lowered;
	[smem:$0x3FD2] =	sst s25  }
0xa7: {  	s6 =	sshll.u32 s26, $0x1;
	_ =	strace $0x80000046;
	[dreg:$0x1] =	wrdreg $0xFFFFFFFF  }
0xa8: {  	s28 =	simm.s32 $_size_execute0_lowered;
	s4 =	sadd.s32 s4, s6;
	[dreg:$0x0] =	wrdreg $0x0  }
0xa9: {  	s6 =	sshll.u32 s28, $0x1;
	[dreg:$0x2] =	wrdreg s4  }
0xaa: {  	[dreg:$0x3] =	wrdreg s6  }
0xab: {  	[dreg:$0x4] =	wrdreg $0xC0  }
0xac: {  	_ =	task [dreg:s8], $0x5FFFF  }
0xad: {  	[dreg:$0x1] =	wrdreg $0xFFFFFFFF  }
0xae: {  	[dreg:$0x0] =	wrdreg $0x60  }
0xaf: {  	[dreg:$0x2] =	wrdreg s2  }
0xb0: {  	[dreg:$0x3] =	wrdreg s18  }
0xb1: {  	[dreg:$0x4] =	wrdreg s24  }
0xb2: {  	[dreg:$0x5] =	wrdreg $0x9  }
0xb3: {  	_ =	task.clear_ibuf [dreg:s8], $0x6FFFF;
	_ =	strace $0x90000046  }
0xb4: {  	s29 =	simm.s32 $0x9;
	_ =	strace $0x80000048  }
0xb5: {  	_ =	swait.ge [sflag:s29], $0x1  }
0xb6: {  	[sflag:s29] =	ssyncadd.s32 $0xFFFFFFFF  }
0xb7: {  	_ =	strace $0x90000048  }
0xb8: {  	_ =	sfence  }
0xb9: {  	s30 =	sld [smem:$0x0];
	_ =	sdelay $0x2  }
0xba: {  	s31 =	sshll.u32 s1, $0xD;
	s1 =	sshrl.u32 s1, $0x2  }
0xbb: {  	s3 =	sand.u32 $0x4000, s31;
	s1 =	sadd.s32 s1, s30  }
0xbc: {  	s0 =	sor.u32 s3, s0;
	s1 =	sshll.u32 s1, $0x11  }
0xbd: {  	s0 =	sor.u32 s1, s0  }
0xbe: {  	s0 =	sadd.s32 $0x8F2B, s0  }
0xbf: {  	[sflag:s0] =	ssyncadd.remote.s32 $0x1  }
0xc0: {  	_ =	sfence.sel $0xFFFF  }
0xc1: {  	[dreg:$0x0] =	wrdreg $0xFFFFFFFF;
	(pc) =	sbr.abs _section_cstart, $3  }
0xc2: {  	[dreg:$0x1] =	wrdreg $0xFFFFFFFF  }
0xc3: {  	_ =	task.clear_ibuf [dreg:s8], $0x2FFFF;
	_ =	strace $0x9FFFFFFF  }
0xc4: {  	(tm) =	ssettm $0x7FFFFFFF  }
0xc5: {  	_ =	shalt  }
tec
execute0_lowered:
.L_overlay_start_1:
0x0: {  	(tag) =	ssettag $0x1  }
0x1: {  	s1 =	rddreg [dreg:$0x0]  }
0x2: {  	s0 =	rddreg [dreg:$0x1]  }
0x3: {  	s2 =	rddreg [dreg:$0x2];
	s3 =	simm.s32 $0x0  }
0x4: {  	s4 =	srdreg.scid;
	s7 =	stileid.u32;
	s11 =	simm.s32 $0x5C00  }
0x5: {  	s13 =	simm.s32 $0x7800;
	s15 =	simm.s32 $0x9400;
	s17 =	simm.s32 $0xB000  }
0x6: {  	s19 =	simm.s32 $0xCC00;
	s21 =	simm.s32 $0xE800;
	s28 =	simm.s32 $0x15800  }
0x7: {  	s29 =	simm.s32 $0x17400;
	s30 =	simm.s32 $0x19000;
	s31 =	simm.s32 $0x1AC00  }
0x8: {  	s10 =	simm.s32 $0x2;
	s12 =	simm.s32 $0x0;
	[smem:$0x7FF] =	sst s3  }
0x9: {  	s4 =	sand.u32 $0x1, s4;
	s5 =	smul.u32 $0x38000, s7;
	s7 =	sshll.u32 s7, $0xC  }
0xa: {  	_ =	strace $0x80000047;
	s6 =	ssub.s32 $0x2, s4;
	s8 =	sshll.u32 s4, $0xB  }
0xb: {  	s9 =	smul.u32 $0x1C000, s4;
	s2 =	sadd.s32 s5, s2;
	s23 =	sshrl.u32 s6, $0x1  }
0xc: {  	s24 =	sor.u32 s8, s7;
	s7 =	simm.s32 $0x3;
	s8 =	simm.s32 $0x32  }
.Ltmp0:
0xd: {  	s6 =	ssub.s32 s6, s23;
	s0 =	sadd.s32 s0, s24;
	(pc) =	sbr.rel .LBB2_1-.Ltmp0, $4  }
0xe: {  	s25 =	sadd.s32 s9, s2;
	s9 =	simm.s32 $0x4000;
	s23 =	simm.s32 $0x10400  }
0xf: {  	s24 =	simm.s32 $0x1;
	s2 =	simm.s32 $0x1E400;
	[dreg:$0x4] =	wrdreg s0  }
0x10: {  	s26 =	smax.u32 s6, $0x1;
	s14 =	sadd.s32 $0x400, s25;
	s25 =	simm.s32 $0x12000  }
0x11: {  	s0 =	simm.s32 $0x1C800;
	[dreg:$0x5] =	wrdreg s26;
	s26 =	simm.s32 $0x13C00  }
.LBB2_4:
0x12: {  	_ =	swait.ge [sflag:s10], $0x6400  }
0x13: {  	[sflag:s10] =	ssyncset.done $0x0  }
0x14: {  	[sflag:s10] =	ssyncadd.s32 $0xFFFF9C00  }
0x15: {  	_ =	swait.ge [sflag:s10], $0x6400  }
0x16: {  	[sflag:s10] =	ssyncset.done $0x0  }
0x17: {  	[sflag:s10] =	ssyncadd.s32 $0xFFFF9C00  }
0x18: {  	_ =	swait.ge [sflag:s10], $0x6400  }
0x19: {  	s12 =	sadd.s32 $0x1, s12;
	s4 =	rddreg [dreg:$0x5]  }
0x1a: {  	p0 =	sne.s32 s12, s4  }
.Ltmp1:
0x1b: {  	_ = 	snop;
	(pc) =	sbr.rel @!p0 .LBB2_5-.Ltmp1, $3  }
0x1c: {  	_ =	sdelay $0x1  }
0x1d: {  	[sflag:s10] =	ssyncset.done $0x0  }
0x1e: {  	[sflag:s10] =	ssyncadd.s32 $0xFFFF9C00  }
.LBB2_1:
0x1f: {  	s4 =	rddreg [dreg:$0x4]  }
0x20: {  	[tilespmem:s3], [sflag:$0x3] =	stream.linear.gather [hbm4b:s4+s3], $0x4000, $0x38;
	v63 =	vld [tilespmem:$0x0]  }
0x21: {  	_ =	swait.ge [sflag:s7], $0x4000  }
0x22: {  	[sflag:s7] =	ssyncset.done $0x0  }
0x23: {  	[sflag:s7] =	ssyncadd.s32 $0xFFFFC000  }
0x24: {  	[tilespmem:s9], [sflag:$0x1] =	stream.indirect.gather [hbm4b:s1+s8], $0x80, s3, s8, $0xb8;
	v63 =	vld [tilespmem:$0x0]  }
0x25: {  	s22 =	simm.s32 $0x80  }
0x26: {  	[tilespmem:s11], [sflag:$0x1] =	stream.indirect.gather [hbm4b:s1+s8], $0x80, s22, s8, $0xb8;
	v63 =	vld [tilespmem:$0x0]  }
0x27: {  	s5 =	simm.s32 $0x100  }
0x28: {  	[tilespmem:s13], [sflag:$0x1] =	stream.indirect.gather [hbm4b:s1+s8], $0x80, s5, s8, $0xb8;
	v63 =	vld [tilespmem:$0x0]  }
0x29: {  	s6 =	simm.s32 $0x180  }
0x2a: {  	[tilespmem:s15], [sflag:$0x1] =	stream.indirect.gather [hbm4b:s1+s8], $0x80, s6, s8, $0xb8;
	v63 =	vld [tilespmem:$0x0]  }
0x2b: {  	s16 =	simm.s32 $0x200  }
0x2c: {  	[tilespmem:s17], [sflag:$0x1] =	stream.indirect.gather [hbm4b:s1+s8], $0x80, s16, s8, $0xb8;
	v63 =	vld [tilespmem:$0x0]  }
0x2d: {  	s18 =	simm.s32 $0x280  }
0x2e: {  	[tilespmem:s19], [sflag:$0x1] =	stream.indirect.gather [hbm4b:s1+s8], $0x80, s18, s8, $0xb8;
	v63 =	vld [tilespmem:$0x0]  }
0x2f: {  	s20 =	simm.s32 $0x300  }
0x30: {  	[tilespmem:s21], [sflag:$0x1] =	stream.indirect.gather [hbm4b:s1+s8], $0x80, s20, s8, $0xb8;
	v63 =	vld [tilespmem:$0x0]  }
0x31: {  	s22 =	simm.s32 $0x380;
	s6 =	smov.u32 s14;
	s16 =	simm.s32 $0x0  }
0x32: {  	[tilespmem:s23], [sflag:$0x1] =	stream.indirect.gather [hbm4b:s1+s8], $0x80, s22, s8, $0xb8;
	v63 =	vld [tilespmem:$0x0]  }
.LBB2_2:
0x33: {  	_ =	swait.ge [sflag:s24], $0x1900  }
0x34: {  	[sflag:s24] =	ssyncset.done $0x0  }
0x35: {  	[sflag:s24] =	ssyncadd.s32 $0xFFFFE700  }
0x36: {  	_ =	swait.ge [sflag:s24], $0x1900  }
0x37: {  	[sflag:s24] =	ssyncset.done $0x0  }
0x38: {  	[sflag:s24] =	ssyncadd.s32 $0xFFFFE700  }
0x39: {  	_ =	swait.ge [sflag:s24], $0x1900  }
0x3a: {  	[sflag:s24] =	ssyncset.done $0x0  }
0x3b: {  	[sflag:s24] =	ssyncadd.s32 $0xFFFFE700  }
0x3c: {  	_ =	swait.ge [sflag:s24], $0x1900  }
0x3d: {  	[sflag:s24] =	ssyncset.done $0x0  }
0x3e: {  	[sflag:s24] =	ssyncadd.s32 $0xFFFFE700  }
0x3f: {  	[hbm4b:s6+s3] =	stream.linear.scatter [tilespmem:s9], [sflag:$0x2], $0x1900, $0x38;
	v63 =	vld [tilespmem:$0x0]  }
0x40: {  	s18 =	sadd.s32 $0x380, s6  }
0x41: {  	[hbm4b:s18+s3] =	stream.linear.scatter [tilespmem:s11], [sflag:$0x2], $0x1900, $0x38;
	v63 =	vld [tilespmem:$0x0]  }
0x42: {  	s22 =	sadd.s32 $0x700, s6;
	p0 =	seq.s32 s16, $0x0  }
0x43: {  	[hbm4b:s22+s3] =	stream.linear.scatter [tilespmem:s13], [sflag:$0x2], $0x1900, $0x38;
	v63 =	vld [tilespmem:$0x0]  }
0x44: {  	s4 =	sadd.s32 $0xA80, s6;
	s20 =	simm.s32 @!p0 $0x2  }
0x45: {  	[hbm4b:s4+s3] =	stream.linear.scatter [tilespmem:s15], [sflag:$0x2], $0x1900, $0x38;
	v63 =	vld [tilespmem:$0x0]  }
0x46: {  	_ =	swait.ge @!p0 [sflag:s20], $0x6400  }
0x47: {  	s18 =	sshra.s32 s16, $0x2;
	[sflag:s20] =	ssyncset.done @!p0 $0x0  }
0x48: {  	s22 =	sadd.s32 $0x400, s18;
	[sflag:s20] =	ssyncadd.s32 @!p0 $0xFFFF9C00  }
0x49: {  	[tilespmem:s25], [sflag:$0x1] =	stream.indirect.gather [hbm4b:s1+s8], $0x80, s22, s8, $0xb8;
	v63 =	vld [tilespmem:$0x0]  }
0x4a: {  	s5 =	sadd.s32 $0x480, s18  }
0x4b: {  	[tilespmem:s26], [sflag:$0x1] =	stream.indirect.gather [hbm4b:s1+s8], $0x80, s5, s8, $0xb8;
	v63 =	vld [tilespmem:$0x0]  }
0x4c: {  	s4 =	sadd.s32 $0x500, s18  }
0x4d: {  	[tilespmem:s28], [sflag:$0x1] =	stream.indirect.gather [hbm4b:s1+s8], $0x80, s4, s8, $0xb8;
	v63 =	vld [tilespmem:$0x0]  }
0x4e: {  	s5 =	sadd.s32 $0x580, s18  }
0x4f: {  	[tilespmem:s29], [sflag:$0x1] =	stream.indirect.gather [hbm4b:s1+s8], $0x80, s5, s8, $0xb8;
	v63 =	vld [tilespmem:$0x0]  }
0x50: {  	_ =	swait.ge [sflag:s24], $0x1900  }
0x51: {  	[sflag:s24] =	ssyncset.done $0x0  }
0x52: {  	[sflag:s24] =	ssyncadd.s32 $0xFFFFE700  }
0x53: {  	_ =	swait.ge [sflag:s24], $0x1900  }
0x54: {  	[sflag:s24] =	ssyncset.done $0x0  }
0x55: {  	[sflag:s24] =	ssyncadd.s32 $0xFFFFE700  }
0x56: {  	_ =	swait.ge [sflag:s24], $0x1900  }
0x57: {  	[sflag:s24] =	ssyncset.done $0x0  }
0x58: {  	[sflag:s24] =	ssyncadd.s32 $0xFFFFE700  }
0x59: {  	_ =	swait.ge [sflag:s24], $0x1900  }
0x5a: {  	[sflag:s24] =	ssyncset.done $0x0  }
0x5b: {  	s4 =	sadd.s32 $0xE00, s6;
	[sflag:s24] =	ssyncadd.s32 $0xFFFFE700  }
0x5c: {  	[hbm4b:s4+s3] =	stream.linear.scatter [tilespmem:s17], [sflag:$0x2], $0x1900, $0x38;
	v63 =	vld [tilespmem:$0x0]  }
0x5d: {  	s5 =	sadd.s32 $0x1180, s6  }
0x5e: {  	[hbm4b:s5+s3] =	stream.linear.scatter [tilespmem:s19], [sflag:$0x2], $0x1900, $0x38;
	v63 =	vld [tilespmem:$0x0]  }
0x5f: {  	s4 =	sadd.s32 $0x1500, s6  }
0x60: {  	[hbm4b:s4+s3] =	stream.linear.scatter [tilespmem:s21], [sflag:$0x2], $0x1900, $0x38;
	v63 =	vld [tilespmem:$0x0]  }
0x61: {  	s5 =	sadd.s32 $0x1880, s6  }
0x62: {  	[hbm4b:s5+s3] =	stream.linear.scatter [tilespmem:s23], [sflag:$0x2], $0x1900, $0x38;
	v63 =	vld [tilespmem:$0x0]  }
0x63: {  	_ =	swait.ge @!p0 [sflag:s20], $0x6400  }
0x64: {  	[sflag:s20] =	ssyncset.done @!p0 $0x0  }
0x65: {  	s4 =	sadd.s32 $0x600, s18;
	[sflag:s20] =	ssyncadd.s32 @!p0 $0xFFFF9C00  }
0x66: {  	[tilespmem:s30], [sflag:$0x1] =	stream.indirect.gather [hbm4b:s1+s8], $0x80, s4, s8, $0xb8;
	v63 =	vld [tilespmem:$0x0]  }
0x67: {  	s5 =	sadd.s32 $0x680, s18  }
0x68: {  	[tilespmem:s31], [sflag:$0x1] =	stream.indirect.gather [hbm4b:s1+s8], $0x80, s5, s8, $0xb8;
	v63 =	vld [tilespmem:$0x0]  }
0x69: {  	s22 =	sadd.s32 $0x700, s18  }
0x6a: {  	[tilespmem:s0], [sflag:$0x1] =	stream.indirect.gather [hbm4b:s1+s8], $0x80, s22, s8, $0xb8;
	v63 =	vld [tilespmem:$0x0]  }
0x6b: {  	s4 =	sadd.s32 $0x780, s18  }
0x6c: {  	[tilespmem:s2], [sflag:$0x1] =	stream.indirect.gather [hbm4b:s1+s8], $0x80, s4, s8, $0xb8;
	v63 =	vld [tilespmem:$0x0]  }
0x6d: {  	_ =	swait.ge [sflag:s24], $0x1900  }
0x6e: {  	[sflag:s24] =	ssyncset.done $0x0  }
0x6f: {  	[sflag:s24] =	ssyncadd.s32 $0xFFFFE700  }
0x70: {  	_ =	swait.ge [sflag:s24], $0x1900  }
0x71: {  	[sflag:s24] =	ssyncset.done $0x0  }
0x72: {  	[sflag:s24] =	ssyncadd.s32 $0xFFFFE700  }
0x73: {  	_ =	swait.ge [sflag:s24], $0x1900  }
0x74: {  	[sflag:s24] =	ssyncset.done $0x0  }
0x75: {  	[sflag:s24] =	ssyncadd.s32 $0xFFFFE700  }
0x76: {  	_ =	swait.ge [sflag:s24], $0x1900  }
0x77: {  	[sflag:s24] =	ssyncset.done $0x0  }
0x78: {  	s5 =	sadd.s32 $0x1C00, s6;
	[sflag:s24] =	ssyncadd.s32 $0xFFFFE700  }
0x79: {  	[hbm4b:s5+s3] =	stream.linear.scatter [tilespmem:s25], [sflag:$0x2], $0x1900, $0x38;
	v63 =	vld [tilespmem:$0x0]  }
0x7a: {  	s22 =	sadd.s32 $0x1F80, s6  }
0x7b: {  	[hbm4b:s22+s3] =	stream.linear.scatter [tilespmem:s26], [sflag:$0x2], $0x1900, $0x38;
	v63 =	vld [tilespmem:$0x0]  }
0x7c: {  	p0 =	seq.s32 s16, $0xE000;
	s4 =	sadd.s32 $0x2300, s6  }
0x7d: {  	[hbm4b:s4+s3] =	stream.linear.scatter [tilespmem:s28], [sflag:$0x2], $0x1900, $0x38;
	v63 =	vld [tilespmem:$0x0]  }
0x7e: {  	s20 =	simm.s32 @!p0 $0x2;
	s5 =	sadd.s32 $0x2680, s6  }
0x7f: {  	[hbm4b:s5+s3] =	stream.linear.scatter [tilespmem:s29], [sflag:$0x2], $0x1900, $0x38;
	v63 =	vld [tilespmem:$0x0]  }
0x80: {  	_ =	swait.ge @!p0 [sflag:s20], $0x6400  }
0x81: {  	[sflag:s20] =	ssyncset.done @!p0 $0x0  }
0x82: {  	[sflag:s20] =	ssyncadd.s32 @!p0 $0xFFFF9C00;
	s20 =	sshra.s32 @!p0 s16, $0x2  }
0x83: {  	s4 =	simm.s32 @!p0 $0x32;
	s5 =	simm.s32 @!p0 $0x4000;
	s22 =	sadd.s32 @!p0 $0x800, s20  }
0x84: {  	[tilespmem:s5], [sflag:$0x1] =	stream.indirect.gather @!p0 [hbm4b:s1+s4], $0x80, s22, s4, $0xb8;
	v63 =	vld [tilespmem:$0x0]  }
0x85: {  	s5 =	sadd.s32 @!p0 $0x880, s20;
	s22 =	simm.s32 @!p0 $0x5C00  }
0x86: {  	[tilespmem:s22], [sflag:$0x1] =	stream.indirect.gather @!p0 [hbm4b:s1+s4], $0x80, s5, s4, $0xb8;
	v63 =	vld [tilespmem:$0x0]  }
0x87: {  	s5 =	sadd.s32 @!p0 $0x900, s20;
	s22 =	simm.s32 @!p0 $0x7800  }
0x88: {  	[tilespmem:s22], [sflag:$0x1] =	stream.indirect.gather @!p0 [hbm4b:s1+s4], $0x80, s5, s4, $0xb8;
	v63 =	vld [tilespmem:$0x0]  }
0x89: {  	s5 =	sadd.s32 @!p0 $0x980, s20;
	s20 =	simm.s32 @!p0 $0x9400  }
0x8a: {  	[tilespmem:s20], [sflag:$0x1] =	stream.indirect.gather @!p0 [hbm4b:s1+s4], $0x80, s5, s4, $0xb8;
	v63 =	vld [tilespmem:$0x0]  }
0x8b: {  	_ =	swait.ge [sflag:s24], $0x1900  }
0x8c: {  	[sflag:s24] =	ssyncset.done $0x0  }
0x8d: {  	[sflag:s24] =	ssyncadd.s32 $0xFFFFE700  }
0x8e: {  	_ =	swait.ge [sflag:s24], $0x1900  }
0x8f: {  	[sflag:s24] =	ssyncset.done $0x0  }
0x90: {  	[sflag:s24] =	ssyncadd.s32 $0xFFFFE700  }
0x91: {  	_ =	swait.ge [sflag:s24], $0x1900  }
0x92: {  	[sflag:s24] =	ssyncset.done $0x0  }
0x93: {  	[sflag:s24] =	ssyncadd.s32 $0xFFFFE700  }
0x94: {  	_ =	swait.ge [sflag:s24], $0x1900  }
0x95: {  	[sflag:s24] =	ssyncset.done $0x0  }
0x96: {  	s22 =	sadd.s32 $0x2A00, s6;
	[sflag:s24] =	ssyncadd.s32 $0xFFFFE700  }
0x97: {  	[hbm4b:s22+s3] =	stream.linear.scatter [tilespmem:s30], [sflag:$0x2], $0x1900, $0x38;
	v63 =	vld [tilespmem:$0x0]  }
0x98: {  	s5 =	sadd.s32 $0x2D80, s6  }
0x99: {  	[hbm4b:s5+s3] =	stream.linear.scatter [tilespmem:s31], [sflag:$0x2], $0x1900, $0x38;
	v63 =	vld [tilespmem:$0x0]  }
0x9a: {  	s20 =	sadd.s32 $0x3100, s6  }
0x9b: {  	[hbm4b:s20+s3] =	stream.linear.scatter [tilespmem:s0], [sflag:$0x2], $0x1900, $0x38;
	v63 =	vld [tilespmem:$0x0]  }
.Ltmp2:
0x9c: {  	s22 =	sadd.s32 $0x3480, s6;
	(pc) =	sbr.rel @p0 .LBB2_4-.Ltmp2, $4  }
0x9d: {  	[hbm4b:s22+s3] =	stream.linear.scatter [tilespmem:s2], [sflag:$0x2], $0x1900, $0x38;
	v63 =	vld [tilespmem:$0x0]  }
0x9e: {  	_ =	swait.ge [sflag:s10], $0x6400  }
0x9f: {  	[sflag:s10] =	ssyncset.done $0x0  }
0xa0: {  	[sflag:s10] =	ssyncadd.s32 $0xFFFF9C00  }
0xa1: {  	s4 =	sadd.s32 $0xA00, s18  }
0xa2: {  	[tilespmem:s17], [sflag:$0x1] =	stream.indirect.gather [hbm4b:s1+s8], $0x80, s4, s8, $0xb8;
	v63 =	vld [tilespmem:$0x0]  }
0xa3: {  	s5 =	sadd.s32 $0xA80, s18  }
0xa4: {  	[tilespmem:s19], [sflag:$0x1] =	stream.indirect.gather [hbm4b:s1+s8], $0x80, s5, s8, $0xb8;
	v63 =	vld [tilespmem:$0x0]  }
.Ltmp3:
0xa5: {  	_ = 	snop;
	(pc) =	sbr.rel .LBB2_2-.Ltmp3, $4  }
0xa6: {  	s20 =	sadd.s32 $0xB00, s18  }
0xa7: {  	[tilespmem:s21], [sflag:$0x1] =	stream.indirect.gather [hbm4b:s1+s8], $0x80, s20, s8, $0xb8;
	v63 =	vld [tilespmem:$0x0]  }
0xa8: {  	s22 =	sadd.s32 $0xB80, s18;
	s16 =	sadd.s32 $0x2000, s16;
	s6 =	sadd.s32 $0x3800, s6  }
0xa9: {  	[tilespmem:s23], [sflag:$0x1] =	stream.indirect.gather [hbm4b:s1+s8], $0x80, s22, s8, $0xb8;
	v63 =	vld [tilespmem:$0x0]  }
.LBB2_5:
0xaa: {  	_ =	sfence.sel $0x180000  }
0xab: {  	[bflag:$0x0] =	sbarrier.arrive $0xFFFF  }
0xac: {  	_ =	strace $0x90000047  }
0xad: {  	s0 =	stileid.u32;
	[bflag:$0x2] =	sbarrier.arrive $0xFFFF  }
0xae: {  	p0 =	sne.s32 s0, $0x0;
	s0 =	rddreg [dreg:$0x3]  }
0xaf: {  	s0 =	sadd.s32 @!p0 $0x100000, s0  }
0xb0: {  	[sflag:s0] =	ssyncadd.tile.s32 @!p0 $0x1;
	_ =	shalt  }
.Lfunc_end2:
_tile_overlayer_lowered:
.L_overlay_start_2:
0xb1: {  	(tag) =	ssettag $0x2  }
0xb2: {  	s0 =	rddreg [dreg:$0x0];
	s2 =	stileid.u32  }
0xb3: {  	s1 =	rddreg [dreg:$0x1];
	p0 =	sne.s32 s2, $0x0  }
0xb4: {  	s3 =	rddreg [dreg:$0x2];
	[bflag:$0x3] =	sbarrier.arrive $0xFFFF;
	s2 =	simm.s32 @!p0 $0x1C03  }
0xb5: {  	[timem:s3], [sflag:s2] =	dma.local @!p0 [hbm:s0], s1  }
0xb6: {  	s0 =	simm.s32 @!p0 $0x3  }
0xb7: {  	_ =	swait.ge @!p0 [sflag:s0], s1  }
0xb8: {  	s1 =	ssub.s32 @!p0 $0x0, s1;
	[sflag:s0] =	ssyncset.done @!p0 $0x0  }
0xb9: {  	[sflag:s0] =	ssyncadd.s32 @!p0 s1  }
0xba: {  	[bflag:$0x3] =	sbarrier.arrive $0xFFFF  }
0xbb: {  	_ =	shalt  }

</sc_bundles>
